<compile_context>
chip_gen: v7x
topology: tpu7x:2x2x1
jax: 0.10.2.dev20260603
libtpu: 0.0.44.dev20260713+nightly
codegen_flags: <defaults>
</compile_context>

<pallas_src>
import functools

import jax
import jax.numpy as jnp
from jax import lax
from jax.experimental import pallas as pl
from jax.experimental.pallas import tpu as pltpu
from jax.experimental.pallas import tpu_sc as plsc

EMBED = 128
LANES = 16
NVEC = EMBED // LANES
NWORK = 32
GA = 104


def _sc_lookahead(t0, t1, t2, eos, idx_all, n_seq, seq_len):
    gb = seq_len - GA
    il = 3 * seq_len
    K = n_seq // NWORK
    mesh = plsc.VectorSubcoreMesh(core_axis_name="c", subcore_axis_name="s")

    @functools.partial(
        pl.kernel,
        out_type=jax.ShapeDtypeStruct((n_seq, seq_len, EMBED), jnp.float32),
        mesh=mesh,
        scratch_types=[
            pltpu.VMEM((2 * il,), jnp.int32),
            pltpu.VMEM((seq_len + 8, EMBED), jnp.float32),
            pltpu.VMEM((seq_len + 8, EMBED), jnp.float32),
            pltpu.VMEM((seq_len + 8, EMBED), jnp.float32),
            pltpu.VMEM((GA, EMBED), jnp.float32),
            pltpu.VMEM((seq_len - GA, EMBED), jnp.float32),
            pltpu.SemaphoreType.DMA,
            pltpu.SemaphoreType.DMA,
            pltpu.SemaphoreType.DMA,
            pltpu.SemaphoreType.DMA,
            pltpu.SemaphoreType.DMA,
        ],
    )
    def body(t0_h, t1_h, t2_h, eos_h, idx_h, out_h,
             idx_v, r0, r1, r2, obufa, obufb, gsa, gsb, isem, wsa, wsb):
        wid = lax.axis_index("s") * 2 + lax.axis_index("c")
        tables = (t0_h, t1_h, t2_h)
        slot = (r0, r1, r2)

        pltpu.sync_copy(eos_h, r0.at[seq_len])
        zeros = jnp.zeros((LANES,), jnp.float32)
        for v in range(NVEC):
            sl = pl.ds(v * LANES, LANES)
            r1[seq_len, sl] = zeros
            r2[seq_len, sl] = zeros

        def idx_off(i):
            return pl.multiple_of((i % 2) * il, 8)

        def fire_idx(i):
            pltpu.async_copy(
                idx_h.at[pl.ds((wid + NWORK * i) * il, il)],
                idx_v.at[pl.ds(idx_off(i), il)], isem)

        def wait_idx(i):
            pltpu.make_async_copy(
                idx_h.at[pl.ds(0, il)],
                idx_v.at[pl.ds(idx_off(i), il)], isem).wait()

        def fire_ga(i):
            base = idx_off(i)
            for t in range(3):
                pltpu.async_copy(
                    tables[t].at[idx_v.at[pl.ds(base + t * seq_len, GA)]],
                    slot[t].at[pl.ds(0, GA)], gsa)

        def fire_gb(i):
            base = idx_off(i)
            for t in range(3):
                pltpu.async_copy(
                    tables[t].at[idx_v.at[pl.ds(base + t * seq_len + GA, gb)]],
                    slot[t].at[pl.ds(GA, gb)], gsb)

        def wait_g(ofs, gn, sem):
            for t in range(3):
                pltpu.make_async_copy(
                    tables[t].at[pl.ds(0, gn)],
                    slot[t].at[pl.ds(ofs, gn)], sem).wait()

        def make_comp(obuf, ofs):
            def comp(s, carry):
                news = []
                for v in range(NVEC):
                    sl = pl.ds(v * LANES, LANES)
                    nxt = r0[s + 1, sl] + r1[s + 1, sl] + r2[s + 1, sl]
                    obuf[s - ofs, sl] = carry[v] + nxt
                    news.append(nxt)
                return tuple(news)
            return comp

        comp_a = make_comp(obufa, 0)
        comp_b = make_comp(obufb, GA)

        fire_idx(0)
        fire_idx(1)
        wait_idx(0)
        fire_ga(0)
        fire_gb(0)

        def item(i, _):
            n = wid + NWORK * i

            @pl.when(i > 0)
            def _():
                pltpu.make_async_copy(
                    obufa, out_h.at[n - NWORK, pl.ds(0, GA)], wsa).wait()

            wait_g(0, GA, gsa)
            init = tuple(
                r0[0, pl.ds(v * LANES, LANES)]
                + r1[0, pl.ds(v * LANES, LANES)]
                + r2[0, pl.ds(v * LANES, LANES)]
                for v in range(NVEC)
            )
            carry = lax.fori_loop(0, GA - 1, comp_a, init)

            @pl.when(i < K - 1)
            def _():
                wait_idx(i + 1)
                fire_ga(i + 1)

            wait_g(GA, gb, gsb)

            @pl.when(i < K - 2)
            def _():
                fire_idx(i + 2)

            news = []
            for v in range(NVEC):
                sl = pl.ds(v * LANES, LANES)
                nxt = r0[GA, sl] + r1[GA, sl] + r2[GA, sl]
                obufa[GA - 1, sl] = carry[v] + nxt
                news.append(nxt)
            pltpu.async_copy(obufa, out_h.at[n, pl.ds(0, GA)], wsa)

            @pl.when(i > 0)
            def _():
                pltpu.make_async_copy(
                    obufb, out_h.at[n - NWORK, pl.ds(GA, gb)], wsb).wait()

            lax.fori_loop(GA, seq_len, comp_b, tuple(news))
            pltpu.async_copy(obufb, out_h.at[n, pl.ds(GA, gb)], wsb)

            @pl.when(i < K - 1)
            def _():
                fire_gb(i + 1)

            return 0

        lax.fori_loop(0, K, item, 0)
        n_last = wid + NWORK * (K - 1)
        pltpu.make_async_copy(obufa, out_h.at[n_last, pl.ds(0, GA)], wsa).wait()
        pltpu.make_async_copy(obufb, out_h.at[n_last, pl.ds(GA, gb)], wsb).wait()

    return body(t0, t1, t2, eos, idx_all)


def kernel(table0, table1, table2, eos, position):
    n_seq, seq_len, _ = position.shape
    idx_all = position.transpose(0, 2, 1).reshape(-1)
    return _sc_lookahead(table0, table1, table2, eos, idx_all, n_seq, seq_len)

# --- scband reference (transcript-rebuilt; emitter-appended) ---
"""Pipeline reference for scband-positional-encoding-learned-look-ahead-7576322310486 (READ-ONLY COPY).

The authoritative reference and input builder live on the scoring server;
editing this copy changes nothing except your own understanding.
"""

import jax, jax.numpy as jnp
import numpy as np

EMBED_DIM = 128
RESOLUTION = 32768
VOCAB = 2 * RESOLUTION
N, S = 1024, 200


def setup_inputs(seed: int = 0) -> dict:
    key = jax.random.key(seed)
    k0, k1, k2, k3, k4 = jax.random.split(key, 5)
    table0 = jax.random.normal(k0, (VOCAB, EMBED_DIM), dtype=jnp.float32).at[0].set(0.0)
    table1 = jax.random.normal(k1, (VOCAB, EMBED_DIM), dtype=jnp.float32).at[0].set(0.0)
    table2 = jax.random.normal(k2, (VOCAB, EMBED_DIM), dtype=jnp.float32).at[0].set(0.0)
    eos = jax.random.normal(k3, (EMBED_DIM,), dtype=jnp.float32)
    position = jax.random.randint(k4, (N, S, 3), 0, VOCAB, dtype=jnp.int32)
    return {"table0": table0, "table1": table1, "table2": table2, "eos": eos, "position": position}


def reference(table0, table1, table2, eos, position):
    # sum of three axis-wise embedding lookups (padding_idx=0 rows are zero)
    x = (jnp.take(table0, position[:, :, 0], axis=0)
         + jnp.take(table1, position[:, :, 1], axis=0)
         + jnp.take(table2, position[:, :, 2], axis=0))
    # append learned eos token
    eos_tok = jnp.broadcast_to(eos, (x.shape[0], 1, eos.shape[0]))
    x = jnp.concatenate([x, eos_tok], axis=1)
    # look-ahead: each position adds its successor
    return x[:, :-1] + x[:, 1:]

if __name__ == "__main__":
    import jax
    _d = setup_inputs()
    print(jax.jit(kernel)(*tuple(_d.values())))

</pallas_src>

<mosaic_0001>
#map = affine_map<(d0, d1) -> (0, 0)>
#map1 = affine_map<(d0, d1) -> (0)>
#map2 = affine_map<(d0, d1) -> (0, 0, 0)>
module attributes {stable_mosaic.version = 14 : i64} {
  func.func @body(%arg0: i32, %arg1: i32, %arg2: memref<65536x128xf32, #tpu.memory_space<hbm>>, %arg3: memref<65536x128xf32, #tpu.memory_space<hbm>>, %arg4: memref<65536x128xf32, #tpu.memory_space<hbm>>, %arg5: memref<128xf32, #tpu.memory_space<hbm>>, %arg6: memref<614400xi32, #tpu.memory_space<hbm>>, %arg7: memref<1024x200x128xf32, #tpu.memory_space<hbm>>, %arg8: memref<1200xi32, #tpu.memory_space<vmem>>, %arg9: memref<208x128xf32, #tpu.memory_space<vmem>>, %arg10: memref<208x128xf32, #tpu.memory_space<vmem>>, %arg11: memref<208x128xf32, #tpu.memory_space<vmem>>, %arg12: memref<104x128xf32, #tpu.memory_space<vmem>>, %arg13: memref<96x128xf32, #tpu.memory_space<vmem>>, %arg14: memref<!tpu.dma_semaphore, #tpu.memory_space<semaphore_mem>>, %arg15: memref<!tpu.dma_semaphore, #tpu.memory_space<semaphore_mem>>, %arg16: memref<!tpu.dma_semaphore, #tpu.memory_space<semaphore_mem>>, %arg17: memref<!tpu.dma_semaphore, #tpu.memory_space<semaphore_mem>>, %arg18: memref<!tpu.dma_semaphore, #tpu.memory_space<semaphore_mem>>) attributes {dimension_semantics = [#tpu.dimension_semantics<core_parallel>, #tpu.dimension_semantics<subcore_parallel>], iteration_bounds = array<i64: 2, 16>, scalar_prefetch = 0 : i64, scratch_operands = 11 : i64, tpu.core_type = #tpu.core_type<sc_vector_subcore>, window_params = [{transform_indices = #map}, {transform_indices = #map}, {transform_indices = #map}, {transform_indices = #map1}, {transform_indices = #map1}, {transform_indices = #map2}]} {
    %mul3A = arith.constant 2 : i32
    %mul3A_0 = arith.muli %arg1, %mul3A : i32
    %add3A = arith.addi %mul3A_0, %arg0 : i32
    %run_scoped3A = arith.constant 200 : i32
    "tpu.region"() ({
      %run_scoped3A_210 = tpu.sem_alloc : memref<!tpu.dma_semaphore, #tpu.memory_space<semaphore_mem>>
      %dma_start3A_211 = arith.constant 0 : i32
      %dma_start3A_212 = tpu.memref_slice %arg9[%run_scoped3A, %dma_start3A_211] : memref<208x128xf32, #tpu.memory_space<vmem>> -> memref<1x128xf32, #tpu.memory_space<vmem>>
      %dma_start3A_213 = tpu.memref_squeeze %dma_start3A_212 : memref<1x128xf32, #tpu.memory_space<vmem>> -> memref<128xf32, #tpu.memory_space<vmem>>
      %dma_start3A_214 = arith.constant 0 : i32
      %dma_start3A_215 = tpu.memref_slice %arg9[%run_scoped3A, %dma_start3A_214] : memref<208x128xf32, #tpu.memory_space<vmem>> -> memref<1x128xf32, #tpu.memory_space<vmem>>
      %dma_start3A_216 = tpu.memref_squeeze %dma_start3A_215 : memref<1x128xf32, #tpu.memory_space<vmem>> -> memref<128xf32, #tpu.memory_space<vmem>>
      tpu.enqueue_dma source(%arg5 : memref<128xf32, #tpu.memory_space<hbm>>) target(%dma_start3A_216 : memref<128xf32, #tpu.memory_space<vmem>>) target_semaphore(%run_scoped3A_210 : memref<!tpu.dma_semaphore, #tpu.memory_space<semaphore_mem>>)
      %dma_wait3A_217 = arith.constant 0 : i32
      %dma_wait3A_218 = tpu.memref_slice %arg9[%run_scoped3A, %dma_wait3A_217] : memref<208x128xf32, #tpu.memory_space<vmem>> -> memref<1x128xf32, #tpu.memory_space<vmem>>
      %dma_wait3A_219 = tpu.memref_squeeze %dma_wait3A_218 : memref<1x128xf32, #tpu.memory_space<vmem>> -> memref<128xf32, #tpu.memory_space<vmem>>
      %dma_wait3A_220 = arith.constant 0 : i32
      %dma_wait3A_221 = tpu.memref_slice %arg9[%run_scoped3A, %dma_wait3A_220] : memref<208x128xf32, #tpu.memory_space<vmem>> -> memref<1x128xf32, #tpu.memory_space<vmem>>
      %dma_wait3A_222 = tpu.memref_squeeze %dma_wait3A_221 : memref<1x128xf32, #tpu.memory_space<vmem>> -> memref<128xf32, #tpu.memory_space<vmem>>
      tpu.wait_dma2 semaphore(%run_scoped3A_210 : memref<!tpu.dma_semaphore, #tpu.memory_space<semaphore_mem>>) src(%arg5 : memref<128xf32, #tpu.memory_space<hbm>>) dst(%dma_wait3A_222 : memref<128xf32, #tpu.memory_space<vmem>>)
      tpu.yield
    }) : () -> ()
    %broadcast_in_dim3A = arith.constant 0.000000e+00 : f32
    %broadcast_in_dim3A_1 = vector.broadcast %broadcast_in_dim3A : f32 to vector<16xf32>
    %swap3A = arith.constant 200 : i32
    %swap3A_2 = arith.index_cast %swap3A : i32 to index
    %swap3A_3 = arith.constant 0 : index
    %swap3A_4 = tpu.vector_load %arg10[%swap3A_2, %swap3A_3] {strides = array<i32>} : memref<208x128xf32, #tpu.memory_space<vmem>>, vector<1x16xf32>,
    %swap3A_5 = vector.shape_cast %swap3A_4 : vector<1x16xf32> to vector<16xf32>
    %swap3A_6 = vector.shape_cast %broadcast_in_dim3A_1 : vector<16xf32> to vector<1x16xf32>
    tpu.vector_store %arg10[%swap3A_2, %swap3A_3], %swap3A_6 {strides = array<i32>} : memref<208x128xf32, #tpu.memory_space<vmem>>, vector<1x16xf32>,
    %swap3A_7 = arith.constant 200 : i32
    %swap3A_8 = arith.index_cast %swap3A_7 : i32 to index
    %swap3A_9 = arith.constant 0 : index
    %swap3A_10 = tpu.vector_load %arg11[%swap3A_8, %swap3A_9] {strides = array<i32>} : memref<208x128xf32, #tpu.memory_space<vmem>>, vector<1x16xf32>,
    %swap3A_11 = vector.shape_cast %swap3A_10 : vector<1x16xf32> to vector<16xf32>
    %swap3A_12 = vector.shape_cast %broadcast_in_dim3A_1 : vector<16xf32> to vector<1x16xf32>
    tpu.vector_store %arg11[%swap3A_8, %swap3A_9], %swap3A_12 {strides = array<i32>} : memref<208x128xf32, #tpu.memory_space<vmem>>, vector<1x16xf32>,
    %swap3A_13 = arith.constant 200 : i32
    %swap3A_14 = arith.index_cast %swap3A_13 : i32 to index
    %swap3A_15 = arith.constant 16 : index
    %swap3A_16 = tpu.vector_load %arg10[%swap3A_14, %swap3A_15] {strides = array<i32>} : memref<208x128xf32, #tpu.memory_space<vmem>>, vector<1x16xf32>,
    %swap3A_17 = vector.shape_cast %swap3A_16 : vector<1x16xf32> to vector<16xf32>
    %swap3A_18 = vector.shape_cast %broadcast_in_dim3A_1 : vector<16xf32> to vector<1x16xf32>
    tpu.vector_store %arg10[%swap3A_14, %swap3A_15], %swap3A_18 {strides = array<i32>} : memref<208x128xf32, #tpu.memory_space<vmem>>, vector<1x16xf32>,
    %swap3A_19 = arith.constant 200 : i32
    %swap3A_20 = arith.index_cast %swap3A_19 : i32 to index
    %swap3A_21 = arith.constant 16 : index
    %swap3A_22 = tpu.vector_load %arg11[%swap3A_20, %swap3A_21] {strides = array<i32>} : memref<208x128xf32, #tpu.memory_space<vmem>>, vector<1x16xf32>,
    %swap3A_23 = vector.shape_cast %swap3A_22 : vector<1x16xf32> to vector<16xf32>
    %swap3A_24 = vector.shape_cast %broadcast_in_dim3A_1 : vector<16xf32> to vector<1x16xf32>
    tpu.vector_store %arg11[%swap3A_20, %swap3A_21], %swap3A_24 {strides = array<i32>} : memref<208x128xf32, #tpu.memory_space<vmem>>, vector<1x16xf32>,
    %swap3A_25 = arith.constant 200 : i32
    %swap3A_26 = arith.index_cast %swap3A_25 : i32 to index
    %swap3A_27 = arith.constant 32 : index
    %swap3A_28 = tpu.vector_load %arg10[%swap3A_26, %swap3A_27] {strides = array<i32>} : memref<208x128xf32, #tpu.memory_space<vmem>>, vector<1x16xf32>,
    %swap3A_29 = vector.shape_cast %swap3A_28 : vector<1x16xf32> to vector<16xf32>
    %swap3A_30 = vector.shape_cast %broadcast_in_dim3A_1 : vector<16xf32> to vector<1x16xf32>
    tpu.vector_store %arg10[%swap3A_26, %swap3A_27], %swap3A_30 {strides = array<i32>} : memref<208x128xf32, #tpu.memory_space<vmem>>, vector<1x16xf32>,
    %swap3A_31 = arith.constant 200 : i32
    %swap3A_32 = arith.index_cast %swap3A_31 : i32 to index
    %swap3A_33 = arith.constant 32 : index
    %swap3A_34 = tpu.vector_load %arg11[%swap3A_32, %swap3A_33] {strides = array<i32>} : memref<208x128xf32, #tpu.memory_space<vmem>>, vector<1x16xf32>,
    %swap3A_35 = vector.shape_cast %swap3A_34 : vector<1x16xf32> to vector<16xf32>
    %swap3A_36 = vector.shape_cast %broadcast_in_dim3A_1 : vector<16xf32> to vector<1x16xf32>
    tpu.vector_store %arg11[%swap3A_32, %swap3A_33], %swap3A_36 {strides = array<i32>} : memref<208x128xf32, #tpu.memory_space<vmem>>, vector<1x16xf32>,
    %swap3A_37 = arith.constant 200 : i32
    %swap3A_38 = arith.index_cast %swap3A_37 : i32 to index
    %swap3A_39 = arith.constant 48 : index
    %swap3A_40 = tpu.vector_load %arg10[%swap3A_38, %swap3A_39] {strides = array<i32>} : memref<208x128xf32, #tpu.memory_space<vmem>>, vector<1x16xf32>,
    %swap3A_41 = vector.shape_cast %swap3A_40 : vector<1x16xf32> to vector<16xf32>
    %swap3A_42 = vector.shape_cast %broadcast_in_dim3A_1 : vector<16xf32> to vector<1x16xf32>
    tpu.vector_store %arg10[%swap3A_38, %swap3A_39], %swap3A_42 {strides = array<i32>} : memref<208x128xf32, #tpu.memory_space<vmem>>, vector<1x16xf32>,
    %swap3A_43 = arith.constant 200 : i32
    %swap3A_44 = arith.index_cast %swap3A_43 : i32 to index
    %swap3A_45 = arith.constant 48 : index
    %swap3A_46 = tpu.vector_load %arg11[%swap3A_44, %swap3A_45] {strides = array<i32>} : memref<208x128xf32, #tpu.memory_space<vmem>>, vector<1x16xf32>,
    %swap3A_47 = vector.shape_cast %swap3A_46 : vector<1x16xf32> to vector<16xf32>
    %swap3A_48 = vector.shape_cast %broadcast_in_dim3A_1 : vector<16xf32> to vector<1x16xf32>
    tpu.vector_store %arg11[%swap3A_44, %swap3A_45], %swap3A_48 {strides = array<i32>} : memref<208x128xf32, #tpu.memory_space<vmem>>, vector<1x16xf32>,
    %swap3A_49 = arith.constant 200 : i32
    %swap3A_50 = arith.index_cast %swap3A_49 : i32 to index
    %swap3A_51 = arith.constant 64 : index
    %swap3A_52 = tpu.vector_load %arg10[%swap3A_50, %swap3A_51] {strides = array<i32>} : memref<208x128xf32, #tpu.memory_space<vmem>>, vector<1x16xf32>,
    %swap3A_53 = vector.shape_cast %swap3A_52 : vector<1x16xf32> to vector<16xf32>
    %swap3A_54 = vector.shape_cast %broadcast_in_dim3A_1 : vector<16xf32> to vector<1x16xf32>
    tpu.vector_store %arg10[%swap3A_50, %swap3A_51], %swap3A_54 {strides = array<i32>} : memref<208x128xf32, #tpu.memory_space<vmem>>, vector<1x16xf32>,
    %swap3A_55 = arith.constant 200 : i32
    %swap3A_56 = arith.index_cast %swap3A_55 : i32 to index
    %swap3A_57 = arith.constant 64 : index
    %swap3A_58 = tpu.vector_load %arg11[%swap3A_56, %swap3A_57] {strides = array<i32>} : memref<208x128xf32, #tpu.memory_space<vmem>>, vector<1x16xf32>,
    %swap3A_59 = vector.shape_cast %swap3A_58 : vector<1x16xf32> to vector<16xf32>
    %swap3A_60 = vector.shape_cast %broadcast_in_dim3A_1 : vector<16xf32> to vector<1x16xf32>
    tpu.vector_store %arg11[%swap3A_56, %swap3A_57], %swap3A_60 {strides = array<i32>} : memref<208x128xf32, #tpu.memory_space<vmem>>, vector<1x16xf32>,
    %swap3A_61 = arith.constant 200 : i32
    %swap3A_62 = arith.index_cast %swap3A_61 : i32 to index
    %swap3A_63 = arith.constant 80 : index
    %swap3A_64 = tpu.vector_load %arg10[%swap3A_62, %swap3A_63] {strides = array<i32>} : memref<208x128xf32, #tpu.memory_space<vmem>>, vector<1x16xf32>,
    %swap3A_65 = vector.shape_cast %swap3A_64 : vector<1x16xf32> to vector<16xf32>
    %swap3A_66 = vector.shape_cast %broadcast_in_dim3A_1 : vector<16xf32> to vector<1x16xf32>
    tpu.vector_store %arg10[%swap3A_62, %swap3A_63], %swap3A_66 {strides = array<i32>} : memref<208x128xf32, #tpu.memory_space<vmem>>, vector<1x16xf32>,
    %swap3A_67 = arith.constant 200 : i32
    %swap3A_68 = arith.index_cast %swap3A_67 : i32 to index
    %swap3A_69 = arith.constant 80 : index
    %swap3A_70 = tpu.vector_load %arg11[%swap3A_68, %swap3A_69] {strides = array<i32>} : memref<208x128xf32, #tpu.memory_space<vmem>>, vector<1x16xf32>,
    %swap3A_71 = vector.shape_cast %swap3A_70 : vector<1x16xf32> to vector<16xf32>
    %swap3A_72 = vector.shape_cast %broadcast_in_dim3A_1 : vector<16xf32> to vector<1x16xf32>
    tpu.vector_store %arg11[%swap3A_68, %swap3A_69], %swap3A_72 {strides = array<i32>} : memref<208x128xf32, #tpu.memory_space<vmem>>, vector<1x16xf32>,
    %swap3A_73 = arith.constant 200 : i32
    %swap3A_74 = arith.index_cast %swap3A_73 : i32 to index
    %swap3A_75 = arith.constant 96 : index
    %swap3A_76 = tpu.vector_load %arg10[%swap3A_74, %swap3A_75] {strides = array<i32>} : memref<208x128xf32, #tpu.memory_space<vmem>>, vector<1x16xf32>,
    %swap3A_77 = vector.shape_cast %swap3A_76 : vector<1x16xf32> to vector<16xf32>
    %swap3A_78 = vector.shape_cast %broadcast_in_dim3A_1 : vector<16xf32> to vector<1x16xf32>
    tpu.vector_store %arg10[%swap3A_74, %swap3A_75], %swap3A_78 {strides = array<i32>} : memref<208x128xf32, #tpu.memory_space<vmem>>, vector<1x16xf32>,
    %swap3A_79 = arith.constant 200 : i32
    %swap3A_80 = arith.index_cast %swap3A_79 : i32 to index
    %swap3A_81 = arith.constant 96 : index
    %swap3A_82 = tpu.vector_load %arg11[%swap3A_80, %swap3A_81] {strides = array<i32>} : memref<208x128xf32, #tpu.memory_space<vmem>>, vector<1x16xf32>,
    %swap3A_83 = vector.shape_cast %swap3A_82 : vector<1x16xf32> to vector<16xf32>
    %swap3A_84 = vector.shape_cast %broadcast_in_dim3A_1 : vector<16xf32> to vector<1x16xf32>
    tpu.vector_store %arg11[%swap3A_80, %swap3A_81], %swap3A_84 {strides = array<i32>} : memref<208x128xf32, #tpu.memory_space<vmem>>, vector<1x16xf32>,
    %swap3A_85 = arith.constant 200 : i32
    %swap3A_86 = arith.index_cast %swap3A_85 : i32 to index
    %swap3A_87 = arith.constant 112 : index
    %swap3A_88 = tpu.vector_load %arg10[%swap3A_86, %swap3A_87] {strides = array<i32>} : memref<208x128xf32, #tpu.memory_space<vmem>>, vector<1x16xf32>,
    %swap3A_89 = vector.shape_cast %swap3A_88 : vector<1x16xf32> to vector<16xf32>
    %swap3A_90 = vector.shape_cast %broadcast_in_dim3A_1 : vector<16xf32> to vector<1x16xf32>
    tpu.vector_store %arg10[%swap3A_86, %swap3A_87], %swap3A_90 {strides = array<i32>} : memref<208x128xf32, #tpu.memory_space<vmem>>, vector<1x16xf32>,
    %swap3A_91 = arith.constant 200 : i32
    %swap3A_92 = arith.index_cast %swap3A_91 : i32 to index
    %swap3A_93 = arith.constant 112 : index
    %swap3A_94 = tpu.vector_load %arg11[%swap3A_92, %swap3A_93] {strides = array<i32>} : memref<208x128xf32, #tpu.memory_space<vmem>>, vector<1x16xf32>,
    %swap3A_95 = vector.shape_cast %swap3A_94 : vector<1x16xf32> to vector<16xf32>
    %swap3A_96 = vector.shape_cast %broadcast_in_dim3A_1 : vector<16xf32> to vector<1x16xf32>
    tpu.vector_store %arg11[%swap3A_92, %swap3A_93], %swap3A_96 {strides = array<i32>} : memref<208x128xf32, #tpu.memory_space<vmem>>, vector<1x16xf32>,
    %add3A_97 = arith.constant 0 : i32
    %add3A_98 = arith.addi %add3A, %add3A_97 : i32
    %mul3A_99 = arith.constant 600 : i32
    %mul3A_100 = arith.muli %add3A_98, %mul3A_99 : i32
    %multiple_of3A = arith.constant 0 : i32
    %multiple_of3A_101 = tpu.assume_multiple %multiple_of3A, 8 : i32
    %dma_start3A = tpu.memref_slice %arg8[%multiple_of3A_101] : memref<1200xi32, #tpu.memory_space<vmem>> -> memref<600xi32, #tpu.memory_space<vmem>>
    %dma_start3A_102 = tpu.memref_slice %arg6[%mul3A_100] : memref<614400xi32, #tpu.memory_space<hbm>> -> memref<600xi32, #tpu.memory_space<hbm>>
    %dma_start3A_103 = tpu.memref_slice %arg8[%multiple_of3A_101] : memref<1200xi32, #tpu.memory_space<vmem>> -> memref<600xi32, #tpu.memory_space<vmem>>
    %dma_start3A_104 = tpu.memref_slice %arg6[%mul3A_100] : memref<614400xi32, #tpu.memory_space<hbm>> -> memref<600xi32, #tpu.memory_space<hbm>>
    tpu.enqueue_dma source(%dma_start3A_104 : memref<600xi32, #tpu.memory_space<hbm>>) target(%dma_start3A_103 : memref<600xi32, #tpu.memory_space<vmem>>) target_semaphore(%arg16 : memref<!tpu.dma_semaphore, #tpu.memory_space<semaphore_mem>>)
    %add3A_105 = arith.constant 32 : i32
    %add3A_106 = arith.addi %add3A, %add3A_105 : i32
    %mul3A_107 = arith.constant 600 : i32
    %mul3A_108 = arith.muli %add3A_106, %mul3A_107 : i32
    %multiple_of3A_109 = arith.constant 600 : i32
    %multiple_of3A_110 = tpu.assume_multiple %multiple_of3A_109, 8 : i32
    %dma_start3A_111 = tpu.memref_slice %arg8[%multiple_of3A_110] : memref<1200xi32, #tpu.memory_space<vmem>> -> memref<600xi32, #tpu.memory_space<vmem>>
    %dma_start3A_112 = tpu.memref_slice %arg6[%mul3A_108] : memref<614400xi32, #tpu.memory_space<hbm>> -> memref<600xi32, #tpu.memory_space<hbm>>
    %dma_start3A_113 = tpu.memref_slice %arg8[%multiple_of3A_110] : memref<1200xi32, #tpu.memory_space<vmem>> -> memref<600xi32, #tpu.memory_space<vmem>>
    %dma_start3A_114 = tpu.memref_slice %arg6[%mul3A_108] : memref<614400xi32, #tpu.memory_space<hbm>> -> memref<600xi32, #tpu.memory_space<hbm>>
    tpu.enqueue_dma source(%dma_start3A_114 : memref<600xi32, #tpu.memory_space<hbm>>) target(%dma_start3A_113 : memref<600xi32, #tpu.memory_space<vmem>>) target_semaphore(%arg16 : memref<!tpu.dma_semaphore, #tpu.memory_space<semaphore_mem>>)
    %multiple_of3A_115 = arith.constant 0 : i32
    %multiple_of3A_116 = tpu.assume_multiple %multiple_of3A_115, 8 : i32
    %dma_wait3A = tpu.memref_slice %arg8[%multiple_of3A_116] : memref<1200xi32, #tpu.memory_space<vmem>> -> memref<600xi32, #tpu.memory_space<vmem>>
    %dma_wait3A_117 = arith.constant 0 : i32
    %dma_wait3A_118 = tpu.memref_slice %arg6[%dma_wait3A_117] : memref<614400xi32, #tpu.memory_space<hbm>> -> memref<600xi32, #tpu.memory_space<hbm>>
    %dma_wait3A_119 = tpu.memref_slice %arg8[%multiple_of3A_116] : memref<1200xi32, #tpu.memory_space<vmem>> -> memref<600xi32, #tpu.memory_space<vmem>>
    %dma_wait3A_120 = arith.constant 0 : i32
    %dma_wait3A_121 = tpu.memref_slice %arg6[%dma_wait3A_120] : memref<614400xi32, #tpu.memory_space<hbm>> -> memref<600xi32, #tpu.memory_space<hbm>>
    tpu.wait_dma2 semaphore(%arg16 : memref<!tpu.dma_semaphore, #tpu.memory_space<semaphore_mem>>) src(%dma_wait3A_121 : memref<600xi32, #tpu.memory_space<hbm>>) dst(%dma_wait3A_119 : memref<600xi32, #tpu.memory_space<vmem>>)
    %multiple_of3A_122 = arith.constant 0 : i32
    %multiple_of3A_123 = tpu.assume_multiple %multiple_of3A_122, 8 : i32
    %add3A_124 = arith.constant 0 : i32
    %add3A_125 = arith.addi %multiple_of3A_123, %add3A_124 : i32
    %dma_start3A_126 = arith.constant 0 : i32
    %dma_start3A_127 = arith.constant 0 : i32
    %dma_start3A_128 = tpu.memref_slice %arg9[%dma_start3A_126, %dma_start3A_127] : memref<208x128xf32, #tpu.memory_space<vmem>> -> memref<104x128xf32, #tpu.memory_space<vmem>>
    %dma_start3A_129 = tpu.memref_slice %arg8[%add3A_125] : memref<1200xi32, #tpu.memory_space<vmem>> -> memref<104xi32, #tpu.memory_space<vmem>>
    %dma_start3A_130 = arith.constant 0 : i32
    %dma_start3A_131 = arith.constant 0 : i32
    %dma_start3A_132 = tpu.memref_slice %arg2[%dma_start3A_130, %dma_start3A_131] : memref<65536x128xf32, #tpu.memory_space<hbm>> -> memref<65536x128xf32, #tpu.memory_space<hbm>>
    tpu.enqueue_indirect_dma source(%dma_start3A_132 : memref<65536x128xf32, #tpu.memory_space<hbm>>) target(%dma_start3A_128 : memref<104x128xf32, #tpu.memory_space<vmem>>) offsets(%dma_start3A_129 : memref<104xi32, #tpu.memory_space<vmem>>) semaphore(%arg14 : memref<!tpu.dma_semaphore, #tpu.memory_space<semaphore_mem>>)
    %add3A_133 = arith.constant 200 : i32
    %add3A_134 = arith.addi %multiple_of3A_123, %add3A_133 : i32
    %dma_start3A_135 = arith.constant 0 : i32
    %dma_start3A_136 = arith.constant 0 : i32
    %dma_start3A_137 = tpu.memref_slice %arg10[%dma_start3A_135, %dma_start3A_136] : memref<208x128xf32, #tpu.memory_space<vmem>> -> memref<104x128xf32, #tpu.memory_space<vmem>>
    %dma_start3A_138 = tpu.memref_slice %arg8[%add3A_134] : memref<1200xi32, #tpu.memory_space<vmem>> -> memref<104xi32, #tpu.memory_space<vmem>>
    %dma_start3A_139 = arith.constant 0 : i32
    %dma_start3A_140 = arith.constant 0 : i32
    %dma_start3A_141 = tpu.memref_slice %arg3[%dma_start3A_139, %dma_start3A_140] : memref<65536x128xf32, #tpu.memory_space<hbm>> -> memref<65536x128xf32, #tpu.memory_space<hbm>>
    tpu.enqueue_indirect_dma source(%dma_start3A_141 : memref<65536x128xf32, #tpu.memory_space<hbm>>) target(%dma_start3A_137 : memref<104x128xf32, #tpu.memory_space<vmem>>) offsets(%dma_start3A_138 : memref<104xi32, #tpu.memory_space<vmem>>) semaphore(%arg14 : memref<!tpu.dma_semaphore, #tpu.memory_space<semaphore_mem>>)
    %add3A_142 = arith.constant 400 : i32
    %add3A_143 = arith.addi %multiple_of3A_123, %add3A_142 : i32
    %dma_start3A_144 = arith.constant 0 : i32
    %dma_start3A_145 = arith.constant 0 : i32
    %dma_start3A_146 = tpu.memref_slice %arg11[%dma_start3A_144, %dma_start3A_145] : memref<208x128xf32, #tpu.memory_space<vmem>> -> memref<104x128xf32, #tpu.memory_space<vmem>>
    %dma_start3A_147 = tpu.memref_slice %arg8[%add3A_143] : memref<1200xi32, #tpu.memory_space<vmem>> -> memref<104xi32, #tpu.memory_space<vmem>>
    %dma_start3A_148 = arith.constant 0 : i32
    %dma_start3A_149 = arith.constant 0 : i32
    %dma_start3A_150 = tpu.memref_slice %arg4[%dma_start3A_148, %dma_start3A_149] : memref<65536x128xf32, #tpu.memory_space<hbm>> -> memref<65536x128xf32, #tpu.memory_space<hbm>>
    tpu.enqueue_indirect_dma source(%dma_start3A_150 : memref<65536x128xf32, #tpu.memory_space<hbm>>) target(%dma_start3A_146 : memref<104x128xf32, #tpu.memory_space<vmem>>) offsets(%dma_start3A_147 : memref<104xi32, #tpu.memory_space<vmem>>) semaphore(%arg14 : memref<!tpu.dma_semaphore, #tpu.memory_space<semaphore_mem>>)
    %multiple_of3A_151 = arith.constant 0 : i32
    %multiple_of3A_152 = tpu.assume_multiple %multiple_of3A_151, 8 : i32
    %add3A_153 = arith.constant 0 : i32
    %add3A_154 = arith.addi %multiple_of3A_152, %add3A_153 : i32
    %add3A_155 = arith.constant 104 : i32
    %add3A_156 = arith.addi %add3A_154, %add3A_155 : i32
    %dma_start3A_157 = arith.constant 104 : i32
    %dma_start3A_158 = arith.constant 0 : i32
    %dma_start3A_159 = tpu.memref_slice %arg9[%dma_start3A_157, %dma_start3A_158] : memref<208x128xf32, #tpu.memory_space<vmem>> -> memref<96x128xf32, #tpu.memory_space<vmem>>
    %dma_start3A_160 = tpu.memref_slice %arg8[%add3A_156] : memref<1200xi32, #tpu.memory_space<vmem>> -> memref<96xi32, #tpu.memory_space<vmem>>
    %dma_start3A_161 = arith.constant 0 : i32
    %dma_start3A_162 = arith.constant 0 : i32
    %dma_start3A_163 = tpu.memref_slice %arg2[%dma_start3A_161, %dma_start3A_162] : memref<65536x128xf32, #tpu.memory_space<hbm>> -> memref<65536x128xf32, #tpu.memory_space<hbm>>
    tpu.enqueue_indirect_dma source(%dma_start3A_163 : memref<65536x128xf32, #tpu.memory_space<hbm>>) target(%dma_start3A_159 : memref<96x128xf32, #tpu.memory_space<vmem>>) offsets(%dma_start3A_160 : memref<96xi32, #tpu.memory_space<vmem>>) semaphore(%arg15 : memref<!tpu.dma_semaphore, #tpu.memory_space<semaphore_mem>>)
    %add3A_164 = arith.constant 200 : i32
    %add3A_165 = arith.addi %multiple_of3A_152, %add3A_164 : i32
    %add3A_166 = arith.constant 104 : i32
    %add3A_167 = arith.addi %add3A_165, %add3A_166 : i32
    %dma_start3A_168 = arith.constant 104 : i32
    %dma_start3A_169 = arith.constant 0 : i32
    %dma_start3A_170 = tpu.memref_slice %arg10[%dma_start3A_168, %dma_start3A_169] : memref<208x128xf32, #tpu.memory_space<vmem>> -> memref<96x128xf32, #tpu.memory_space<vmem>>
    %dma_start3A_171 = tpu.memref_slice %arg8[%add3A_167] : memref<1200xi32, #tpu.memory_space<vmem>> -> memref<96xi32, #tpu.memory_space<vmem>>
    %dma_start3A_172 = arith.constant 0 : i32
    %dma_start3A_173 = arith.constant 0 : i32
    %dma_start3A_174 = tpu.memref_slice %arg3[%dma_start3A_172, %dma_start3A_173] : memref<65536x128xf32, #tpu.memory_space<hbm>> -> memref<65536x128xf32, #tpu.memory_space<hbm>>
    tpu.enqueue_indirect_dma source(%dma_start3A_174 : memref<65536x128xf32, #tpu.memory_space<hbm>>) target(%dma_start3A_170 : memref<96x128xf32, #tpu.memory_space<vmem>>) offsets(%dma_start3A_171 : memref<96xi32, #tpu.memory_space<vmem>>) semaphore(%arg15 : memref<!tpu.dma_semaphore, #tpu.memory_space<semaphore_mem>>)
    %add3A_175 = arith.constant 400 : i32
    %add3A_176 = arith.addi %multiple_of3A_152, %add3A_175 : i32
    %add3A_177 = arith.constant 104 : i32
    %add3A_178 = arith.addi %add3A_176, %add3A_177 : i32
    %dma_start3A_179 = arith.constant 104 : i32
    %dma_start3A_180 = arith.constant 0 : i32
    %dma_start3A_181 = tpu.memref_slice %arg11[%dma_start3A_179, %dma_start3A_180] : memref<208x128xf32, #tpu.memory_space<vmem>> -> memref<96x128xf32, #tpu.memory_space<vmem>>
    %dma_start3A_182 = tpu.memref_slice %arg8[%add3A_178] : memref<1200xi32, #tpu.memory_space<vmem>> -> memref<96xi32, #tpu.memory_space<vmem>>
    %dma_start3A_183 = arith.constant 0 : i32
    %dma_start3A_184 = arith.constant 0 : i32
    %dma_start3A_185 = tpu.memref_slice %arg4[%dma_start3A_183, %dma_start3A_184] : memref<65536x128xf32, #tpu.memory_space<hbm>> -> memref<65536x128xf32, #tpu.memory_space<hbm>>
    tpu.enqueue_indirect_dma source(%dma_start3A_185 : memref<65536x128xf32, #tpu.memory_space<hbm>>) target(%dma_start3A_181 : memref<96x128xf32, #tpu.memory_space<vmem>>) offsets(%dma_start3A_182 : memref<96xi32, #tpu.memory_space<vmem>>) semaphore(%arg15 : memref<!tpu.dma_semaphore, #tpu.memory_space<semaphore_mem>>)
    %scan3A = arith.constant 0 : i32
    %scan3A_186 = arith.constant 0 : i32
    %scan3A_187 = arith.constant 32 : i32
    %scan3A_188 = arith.addi %scan3A_186, %scan3A_187 : i32
    %scan3A_189 = arith.constant 1 : i32
    %scan3A_190 = scf.for %scan3A_210 = %scan3A_186 to %scan3A_188 step %scan3A_189 iter_args(%scan3A_211 = %scan3A) -> (i32)  : i32 {
      %mul3A_212 = arith.constant 32 : i32
      %mul3A_213 = arith.muli %mul3A_212, %scan3A_210 : i32
      %add3A_214 = arith.addi %add3A, %mul3A_213 : i32
      %gt3A = arith.constant 0 : i32
      %gt3A_215 = arith.cmpi sgt, %scan3A_210, %gt3A : i32
      %convert_element_type3A = arith.extui %gt3A_215 : i1 to i32
      %cond3A = arith.constant 0 : i32
      %cond3A_216 = arith.cmpi ne, %convert_element_type3A, %cond3A : i32
      scf.if %cond3A_216 {
        %sub3A = arith.constant 32 : i32
        %sub3A_664 = arith.subi %add3A_214, %sub3A : i32
        %dma_wait3A_665 = arith.constant 0 : i32
        %dma_wait3A_666 = arith.constant 0 : i32
        %dma_wait3A_667 = tpu.memref_slice %arg7[%sub3A_664, %dma_wait3A_665, %dma_wait3A_666] : memref<1024x200x128xf32, #tpu.memory_space<hbm>> -> memref<1x104x128xf32, #tpu.memory_space<hbm>>
        %dma_wait3A_668 = tpu.memref_squeeze %dma_wait3A_667 : memref<1x104x128xf32, #tpu.memory_space<hbm>> -> memref<104x128xf32, #tpu.memory_space<hbm>>
        %dma_wait3A_669 = arith.constant 0 : i32
        %dma_wait3A_670 = arith.constant 0 : i32
        %dma_wait3A_671 = tpu.memref_slice %arg7[%sub3A_664, %dma_wait3A_669, %dma_wait3A_670] : memref<1024x200x128xf32, #tpu.memory_space<hbm>> -> memref<1x104x128xf32, #tpu.memory_space<hbm>>
        %dma_wait3A_672 = tpu.memref_squeeze %dma_wait3A_671 : memref<1x104x128xf32, #tpu.memory_space<hbm>> -> memref<104x128xf32, #tpu.memory_space<hbm>>
        tpu.wait_dma2 semaphore(%arg17 : memref<!tpu.dma_semaphore, #tpu.memory_space<semaphore_mem>>) src(%arg12 : memref<104x128xf32, #tpu.memory_space<vmem>>) dst(%dma_wait3A_672 : memref<104x128xf32, #tpu.memory_space<hbm>>)
      } else {
      }
      %dma_wait3A_217 = arith.constant 0 : i32
      %dma_wait3A_218 = arith.constant 0 : i32
      %dma_wait3A_219 = tpu.memref_slice %arg9[%dma_wait3A_217, %dma_wait3A_218] : memref<208x128xf32, #tpu.memory_space<vmem>> -> memref<104x128xf32, #tpu.memory_space<vmem>>
      %dma_wait3A_220 = arith.constant 0 : i32
      %dma_wait3A_221 = arith.constant 0 : i32
      %dma_wait3A_222 = tpu.memref_slice %arg2[%dma_wait3A_220, %dma_wait3A_221] : memref<65536x128xf32, #tpu.memory_space<hbm>> -> memref<104x128xf32, #tpu.memory_space<hbm>>
      %dma_wait3A_223 = arith.constant 0 : i32
      %dma_wait3A_224 = arith.constant 0 : i32
      %dma_wait3A_225 = tpu.memref_slice %arg9[%dma_wait3A_223, %dma_wait3A_224] : memref<208x128xf32, #tpu.memory_space<vmem>> -> memref<104x128xf32, #tpu.memory_space<vmem>>
      %dma_wait3A_226 = arith.constant 0 : i32
      %dma_wait3A_227 = arith.constant 0 : i32
      %dma_wait3A_228 = tpu.memref_slice %arg2[%dma_wait3A_226, %dma_wait3A_227] : memref<65536x128xf32, #tpu.memory_space<hbm>> -> memref<104x128xf32, #tpu.memory_space<hbm>>
      tpu.wait_dma2 semaphore(%arg14 : memref<!tpu.dma_semaphore, #tpu.memory_space<semaphore_mem>>) src(%dma_wait3A_228 : memref<104x128xf32, #tpu.memory_space<hbm>>) dst(%dma_wait3A_225 : memref<104x128xf32, #tpu.memory_space<vmem>>)
      %dma_wait3A_229 = arith.constant 0 : i32
      %dma_wait3A_230 = arith.constant 0 : i32
      %dma_wait3A_231 = tpu.memref_slice %arg10[%dma_wait3A_229, %dma_wait3A_230] : memref<208x128xf32, #tpu.memory_space<vmem>> -> memref<104x128xf32, #tpu.memory_space<vmem>>
      %dma_wait3A_232 = arith.constant 0 : i32
      %dma_wait3A_233 = arith.constant 0 : i32
      %dma_wait3A_234 = tpu.memref_slice %arg3[%dma_wait3A_232, %dma_wait3A_233] : memref<65536x128xf32, #tpu.memory_space<hbm>> -> memref<104x128xf32, #tpu.memory_space<hbm>>
      %dma_wait3A_235 = arith.constant 0 : i32
      %dma_wait3A_236 = arith.constant 0 : i32
      %dma_wait3A_237 = tpu.memref_slice %arg10[%dma_wait3A_235, %dma_wait3A_236] : memref<208x128xf32, #tpu.memory_space<vmem>> -> memref<104x128xf32, #tpu.memory_space<vmem>>
      %dma_wait3A_238 = arith.constant 0 : i32
      %dma_wait3A_239 = arith.constant 0 : i32
      %dma_wait3A_240 = tpu.memref_slice %arg3[%dma_wait3A_238, %dma_wait3A_239] : memref<65536x128xf32, #tpu.memory_space<hbm>> -> memref<104x128xf32, #tpu.memory_space<hbm>>
      tpu.wait_dma2 semaphore(%arg14 : memref<!tpu.dma_semaphore, #tpu.memory_space<semaphore_mem>>) src(%dma_wait3A_240 : memref<104x128xf32, #tpu.memory_space<hbm>>) dst(%dma_wait3A_237 : memref<104x128xf32, #tpu.memory_space<vmem>>)
      %dma_wait3A_241 = arith.constant 0 : i32
      %dma_wait3A_242 = arith.constant 0 : i32
      %dma_wait3A_243 = tpu.memref_slice %arg11[%dma_wait3A_241, %dma_wait3A_242] : memref<208x128xf32, #tpu.memory_space<vmem>> -> memref<104x128xf32, #tpu.memory_space<vmem>>
      %dma_wait3A_244 = arith.constant 0 : i32
      %dma_wait3A_245 = arith.constant 0 : i32
      %dma_wait3A_246 = tpu.memref_slice %arg4[%dma_wait3A_244, %dma_wait3A_245] : memref<65536x128xf32, #tpu.memory_space<hbm>> -> memref<104x128xf32, #tpu.memory_space<hbm>>
      %dma_wait3A_247 = arith.constant 0 : i32
      %dma_wait3A_248 = arith.constant 0 : i32
      %dma_wait3A_249 = tpu.memref_slice %arg11[%dma_wait3A_247, %dma_wait3A_248] : memref<208x128xf32, #tpu.memory_space<vmem>> -> memref<104x128xf32, #tpu.memory_space<vmem>>
      %dma_wait3A_250 = arith.constant 0 : i32
      %dma_wait3A_251 = arith.constant 0 : i32
      %dma_wait3A_252 = tpu.memref_slice %arg4[%dma_wait3A_250, %dma_wait3A_251] : memref<65536x128xf32, #tpu.memory_space<hbm>> -> memref<104x128xf32, #tpu.memory_space<hbm>>
      tpu.wait_dma2 semaphore(%arg14 : memref<!tpu.dma_semaphore, #tpu.memory_space<semaphore_mem>>) src(%dma_wait3A_252 : memref<104x128xf32, #tpu.memory_space<hbm>>) dst(%dma_wait3A_249 : memref<104x128xf32, #tpu.memory_space<vmem>>)
      %get3A = arith.constant 0 : i32
      %get3A_253 = arith.index_cast %get3A : i32 to index
      %get3A_254 = arith.constant 0 : index
      %get3A_255 = tpu.vector_load %arg9[%get3A_253, %get3A_254] {strides = array<i32>} : memref<208x128xf32, #tpu.memory_space<vmem>>, vector<1x16xf32>,
      %get3A_256 = vector.shape_cast %get3A_255 : vector<1x16xf32> to vector<16xf32>
      %get3A_257 = arith.constant 0 : i32
      %get3A_258 = arith.index_cast %get3A_257 : i32 to index
      %get3A_259 = arith.constant 0 : index
      %get3A_260 = tpu.vector_load %arg10[%get3A_258, %get3A_259] {strides = array<i32>} : memref<208x128xf32, #tpu.memory_space<vmem>>, vector<1x16xf32>,
      %get3A_261 = vector.shape_cast %get3A_260 : vector<1x16xf32> to vector<16xf32>
      %add3A_262 = arith.addf %get3A_256, %get3A_261 : vector<16xf32>
      %get3A_263 = arith.constant 0 : i32
      %get3A_264 = arith.index_cast %get3A_263 : i32 to index
      %get3A_265 = arith.constant 0 : index
      %get3A_266 = tpu.vector_load %arg11[%get3A_264, %get3A_265] {strides = array<i32>} : memref<208x128xf32, #tpu.memory_space<vmem>>, vector<1x16xf32>,
      %get3A_267 = vector.shape_cast %get3A_266 : vector<1x16xf32> to vector<16xf32>
      %add3A_268 = arith.addf %add3A_262, %get3A_267 : vector<16xf32>
      %get3A_269 = arith.constant 0 : i32
      %get3A_270 = arith.index_cast %get3A_269 : i32 to index
      %get3A_271 = arith.constant 16 : index
      %get3A_272 = tpu.vector_load %arg9[%get3A_270, %get3A_271] {strides = array<i32>} : memref<208x128xf32, #tpu.memory_space<vmem>>, vector<1x16xf32>,
      %get3A_273 = vector.shape_cast %get3A_272 : vector<1x16xf32> to vector<16xf32>
      %get3A_274 = arith.constant 0 : i32
      %get3A_275 = arith.index_cast %get3A_274 : i32 to index
      %get3A_276 = arith.constant 16 : index
      %get3A_277 = tpu.vector_load %arg10[%get3A_275, %get3A_276] {strides = array<i32>} : memref<208x128xf32, #tpu.memory_space<vmem>>, vector<1x16xf32>,
      %get3A_278 = vector.shape_cast %get3A_277 : vector<1x16xf32> to vector<16xf32>
      %add3A_279 = arith.addf %get3A_273, %get3A_278 : vector<16xf32>
      %get3A_280 = arith.constant 0 : i32
      %get3A_281 = arith.index_cast %get3A_280 : i32 to index
      %get3A_282 = arith.constant 16 : index
      %get3A_283 = tpu.vector_load %arg11[%get3A_281, %get3A_282] {strides = array<i32>} : memref<208x128xf32, #tpu.memory_space<vmem>>, vector<1x16xf32>,
      %get3A_284 = vector.shape_cast %get3A_283 : vector<1x16xf32> to vector<16xf32>
      %add3A_285 = arith.addf %add3A_279, %get3A_284 : vector<16xf32>
      %get3A_286 = arith.constant 0 : i32
      %get3A_287 = arith.index_cast %get3A_286 : i32 to index
      %get3A_288 = arith.constant 32 : index
      %get3A_289 = tpu.vector_load %arg9[%get3A_287, %get3A_288] {strides = array<i32>} : memref<208x128xf32, #tpu.memory_space<vmem>>, vector<1x16xf32>,
      %get3A_290 = vector.shape_cast %get3A_289 : vector<1x16xf32> to vector<16xf32>
      %get3A_291 = arith.constant 0 : i32
      %get3A_292 = arith.index_cast %get3A_291 : i32 to index
      %get3A_293 = arith.constant 32 : index
      %get3A_294 = tpu.vector_load %arg10[%get3A_292, %get3A_293] {strides = array<i32>} : memref<208x128xf32, #tpu.memory_space<vmem>>, vector<1x16xf32>,
      %get3A_295 = vector.shape_cast %get3A_294 : vector<1x16xf32> to vector<16xf32>
      %add3A_296 = arith.addf %get3A_290, %get3A_295 : vector<16xf32>
      %get3A_297 = arith.constant 0 : i32
      %get3A_298 = arith.index_cast %get3A_297 : i32 to index
      %get3A_299 = arith.constant 32 : index
      %get3A_300 = tpu.vector_load %arg11[%get3A_298, %get3A_299] {strides = array<i32>} : memref<208x128xf32, #tpu.memory_space<vmem>>, vector<1x16xf32>,
      %get3A_301 = vector.shape_cast %get3A_300 : vector<1x16xf32> to vector<16xf32>
      %add3A_302 = arith.addf %add3A_296, %get3A_301 : vector<16xf32>
      %get3A_303 = arith.constant 0 : i32
      %get3A_304 = arith.index_cast %get3A_303 : i32 to index
      %get3A_305 = arith.constant 48 : index
      %get3A_306 = tpu.vector_load %arg9[%get3A_304, %get3A_305] {strides = array<i32>} : memref<208x128xf32, #tpu.memory_space<vmem>>, vector<1x16xf32>,
      %get3A_307 = vector.shape_cast %get3A_306 : vector<1x16xf32> to vector<16xf32>
      %get3A_308 = arith.constant 0 : i32
      %get3A_309 = arith.index_cast %get3A_308 : i32 to index
      %get3A_310 = arith.constant 48 : index
      %get3A_311 = tpu.vector_load %arg10[%get3A_309, %get3A_310] {strides = array<i32>} : memref<208x128xf32, #tpu.memory_space<vmem>>, vector<1x16xf32>,
      %get3A_312 = vector.shape_cast %get3A_311 : vector<1x16xf32> to vector<16xf32>
      %add3A_313 = arith.addf %get3A_307, %get3A_312 : vector<16xf32>
      %get3A_314 = arith.constant 0 : i32
      %get3A_315 = arith.index_cast %get3A_314 : i32 to index
      %get3A_316 = arith.constant 48 : index
      %get3A_317 = tpu.vector_load %arg11[%get3A_315, %get3A_316] {strides = array<i32>} : memref<208x128xf32, #tpu.memory_space<vmem>>, vector<1x16xf32>,
      %get3A_318 = vector.shape_cast %get3A_317 : vector<1x16xf32> to vector<16xf32>
      %add3A_319 = arith.addf %add3A_313, %get3A_318 : vector<16xf32>
      %get3A_320 = arith.constant 0 : i32
      %get3A_321 = arith.index_cast %get3A_320 : i32 to index
      %get3A_322 = arith.constant 64 : index
      %get3A_323 = tpu.vector_load %arg9[%get3A_321, %get3A_322] {strides = array<i32>} : memref<208x128xf32, #tpu.memory_space<vmem>>, vector<1x16xf32>,
      %get3A_324 = vector.shape_cast %get3A_323 : vector<1x16xf32> to vector<16xf32>
      %get3A_325 = arith.constant 0 : i32
      %get3A_326 = arith.index_cast %get3A_325 : i32 to index
      %get3A_327 = arith.constant 64 : index
      %get3A_328 = tpu.vector_load %arg10[%get3A_326, %get3A_327] {strides = array<i32>} : memref<208x128xf32, #tpu.memory_space<vmem>>, vector<1x16xf32>,
      %get3A_329 = vector.shape_cast %get3A_328 : vector<1x16xf32> to vector<16xf32>
      %add3A_330 = arith.addf %get3A_324, %get3A_329 : vector<16xf32>
      %get3A_331 = arith.constant 0 : i32
      %get3A_332 = arith.index_cast %get3A_331 : i32 to index
      %get3A_333 = arith.constant 64 : index
      %get3A_334 = tpu.vector_load %arg11[%get3A_332, %get3A_333] {strides = array<i32>} : memref<208x128xf32, #tpu.memory_space<vmem>>, vector<1x16xf32>,
      %get3A_335 = vector.shape_cast %get3A_334 : vector<1x16xf32> to vector<16xf32>
      %add3A_336 = arith.addf %add3A_330, %get3A_335 : vector<16xf32>
      %get3A_337 = arith.constant 0 : i32
      %get3A_338 = arith.index_cast %get3A_337 : i32 to index
      %get3A_339 = arith.constant 80 : index
      %get3A_340 = tpu.vector_load %arg9[%get3A_338, %get3A_339] {strides = array<i32>} : memref<208x128xf32, #tpu.memory_space<vmem>>, vector<1x16xf32>,
      %get3A_341 = vector.shape_cast %get3A_340 : vector<1x16xf32> to vector<16xf32>
      %get3A_342 = arith.constant 0 : i32
      %get3A_343 = arith.index_cast %get3A_342 : i32 to index
      %get3A_344 = arith.constant 80 : index
      %get3A_345 = tpu.vector_load %arg10[%get3A_343, %get3A_344] {strides = array<i32>} : memref<208x128xf32, #tpu.memory_space<vmem>>, vector<1x16xf32>,
      %get3A_346 = vector.shape_cast %get3A_345 : vector<1x16xf32> to vector<16xf32>
      %add3A_347 = arith.addf %get3A_341, %get3A_346 : vector<16xf32>
      %get3A_348 = arith.constant 0 : i32
      %get3A_349 = arith.index_cast %get3A_348 : i32 to index
      %get3A_350 = arith.constant 80 : index
      %get3A_351 = tpu.vector_load %arg11[%get3A_349, %get3A_350] {strides = array<i32>} : memref<208x128xf32, #tpu.memory_space<vmem>>, vector<1x16xf32>,
      %get3A_352 = vector.shape_cast %get3A_351 : vector<1x16xf32> to vector<16xf32>
      %add3A_353 = arith.addf %add3A_347, %get3A_352 : vector<16xf32>
      %get3A_354 = arith.constant 0 : i32
      %get3A_355 = arith.index_cast %get3A_354 : i32 to index
      %get3A_356 = arith.constant 96 : index
      %get3A_357 = tpu.vector_load %arg9[%get3A_355, %get3A_356] {strides = array<i32>} : memref<208x128xf32, #tpu.memory_space<vmem>>, vector<1x16xf32>,
      %get3A_358 = vector.shape_cast %get3A_357 : vector<1x16xf32> to vector<16xf32>
      %get3A_359 = arith.constant 0 : i32
      %get3A_360 = arith.index_cast %get3A_359 : i32 to index
      %get3A_361 = arith.constant 96 : index
      %get3A_362 = tpu.vector_load %arg10[%get3A_360, %get3A_361] {strides = array<i32>} : memref<208x128xf32, #tpu.memory_space<vmem>>, vector<1x16xf32>,
      %get3A_363 = vector.shape_cast %get3A_362 : vector<1x16xf32> to vector<16xf32>
      %add3A_364 = arith.addf %get3A_358, %get3A_363 : vector<16xf32>
      %get3A_365 = arith.constant 0 : i32
      %get3A_366 = arith.index_cast %get3A_365 : i32 to index
      %get3A_367 = arith.constant 96 : index
      %get3A_368 = tpu.vector_load %arg11[%get3A_366, %get3A_367] {strides = array<i32>} : memref<208x128xf32, #tpu.memory_space<vmem>>, vector<1x16xf32>,
      %get3A_369 = vector.shape_cast %get3A_368 : vector<1x16xf32> to vector<16xf32>
      %add3A_370 = arith.addf %add3A_364, %get3A_369 : vector<16xf32>
      %get3A_371 = arith.constant 0 : i32
      %get3A_372 = arith.index_cast %get3A_371 : i32 to index
      %get3A_373 = arith.constant 112 : index
      %get3A_374 = tpu.vector_load %arg9[%get3A_372, %get3A_373] {strides = array<i32>} : memref<208x128xf32, #tpu.memory_space<vmem>>, vector<1x16xf32>,
      %get3A_375 = vector.shape_cast %get3A_374 : vector<1x16xf32> to vector<16xf32>
      %get3A_376 = arith.constant 0 : i32
      %get3A_377 = arith.index_cast %get3A_376 : i32 to index
      %get3A_378 = arith.constant 112 : index
      %get3A_379 = tpu.vector_load %arg10[%get3A_377, %get3A_378] {strides = array<i32>} : memref<208x128xf32, #tpu.memory_space<vmem>>, vector<1x16xf32>,
      %get3A_380 = vector.shape_cast %get3A_379 : vector<1x16xf32> to vector<16xf32>
      %add3A_381 = arith.addf %get3A_375, %get3A_380 : vector<16xf32>
      %get3A_382 = arith.constant 0 : i32
      %get3A_383 = arith.index_cast %get3A_382 : i32 to index
      %get3A_384 = arith.constant 112 : index
      %get3A_385 = tpu.vector_load %arg11[%get3A_383, %get3A_384] {strides = array<i32>} : memref<208x128xf32, #tpu.memory_space<vmem>>, vector<1x16xf32>,
      %get3A_386 = vector.shape_cast %get3A_385 : vector<1x16xf32> to vector<16xf32>
      %add3A_387 = arith.addf %add3A_381, %get3A_386 : vector<16xf32>
      %scan3A_388 = arith.constant 0 : i32
      %scan3A_389 = arith.constant 103 : i32
      %scan3A_390 = arith.addi %scan3A_388, %scan3A_389 : i32
      %scan3A_391 = arith.constant 1 : i32
      %scan3A_392:8 = scf.for %scan3A_664 = %scan3A_388 to %scan3A_390 step %scan3A_391 iter_args(%scan3A_665 = %add3A_268, %scan3A_666 = %add3A_285, %scan3A_667 = %add3A_302, %scan3A_668 = %add3A_319, %scan3A_669 = %add3A_336, %scan3A_670 = %add3A_353, %scan3A_671 = %add3A_370, %scan3A_672 = %add3A_387) -> (vector<16xf32>, vector<16xf32>, vector<16xf32>, vector<16xf32>, vector<16xf32>, vector<16xf32>, vector<16xf32>, vector<16xf32>)  : i32 {
        %add3A_673 = arith.constant 1 : i32
        %add3A_674 = arith.addi %scan3A_664, %add3A_673 : i32
        %get3A_675 = arith.index_cast %add3A_674 : i32 to index
        %get3A_676 = arith.constant 0 : index
        %get3A_677 = tpu.vector_load %arg9[%get3A_675, %get3A_676] {strides = array<i32>} : memref<208x128xf32, #tpu.memory_space<vmem>>, vector<1x16xf32>,
        %get3A_678 = vector.shape_cast %get3A_677 : vector<1x16xf32> to vector<16xf32>
        %add3A_679 = arith.constant 1 : i32
        %add3A_680 = arith.addi %scan3A_664, %add3A_679 : i32
        %get3A_681 = arith.index_cast %add3A_680 : i32 to index
        %get3A_682 = arith.constant 0 : index
        %get3A_683 = tpu.vector_load %arg10[%get3A_681, %get3A_682] {strides = array<i32>} : memref<208x128xf32, #tpu.memory_space<vmem>>, vector<1x16xf32>,
        %get3A_684 = vector.shape_cast %get3A_683 : vector<1x16xf32> to vector<16xf32>
        %add3A_685 = arith.addf %get3A_678, %get3A_684 : vector<16xf32>
        %add3A_686 = arith.constant 1 : i32
        %add3A_687 = arith.addi %scan3A_664, %add3A_686 : i32
        %get3A_688 = arith.index_cast %add3A_687 : i32 to index
        %get3A_689 = arith.constant 0 : index
        %get3A_690 = tpu.vector_load %arg11[%get3A_688, %get3A_689] {strides = array<i32>} : memref<208x128xf32, #tpu.memory_space<vmem>>, vector<1x16xf32>,
        %get3A_691 = vector.shape_cast %get3A_690 : vector<1x16xf32> to vector<16xf32>
        %add3A_692 = arith.addf %add3A_685, %get3A_691 : vector<16xf32>
        %add3A_693 = arith.addf %scan3A_665, %add3A_692 : vector<16xf32>
        %sub3A = arith.constant 0 : i32
        %sub3A_694 = arith.subi %scan3A_664, %sub3A : i32
        %swap3A_695 = arith.index_cast %sub3A_694 : i32 to index
        %swap3A_696 = arith.constant 0 : index
        %swap3A_697 = tpu.vector_load %arg12[%swap3A_695, %swap3A_696] {strides = array<i32>} : memref<104x128xf32, #tpu.memory_space<vmem>>, vector<1x16xf32>,
        %swap3A_698 = vector.shape_cast %swap3A_697 : vector<1x16xf32> to vector<16xf32>
        %swap3A_699 = vector.shape_cast %add3A_693 : vector<16xf32> to vector<1x16xf32>
        tpu.vector_store %arg12[%swap3A_695, %swap3A_696], %swap3A_699 {strides = array<i32>} : memref<104x128xf32, #tpu.memory_space<vmem>>, vector<1x16xf32>,
        %add3A_700 = arith.constant 1 : i32
        %add3A_701 = arith.addi %scan3A_664, %add3A_700 : i32
        %get3A_702 = arith.index_cast %add3A_701 : i32 to index
        %get3A_703 = arith.constant 16 : index
        %get3A_704 = tpu.vector_load %arg9[%get3A_702, %get3A_703] {strides = array<i32>} : memref<208x128xf32, #tpu.memory_space<vmem>>, vector<1x16xf32>,
        %get3A_705 = vector.shape_cast %get3A_704 : vector<1x16xf32> to vector<16xf32>
        %add3A_706 = arith.constant 1 : i32
        %add3A_707 = arith.addi %scan3A_664, %add3A_706 : i32
        %get3A_708 = arith.index_cast %add3A_707 : i32 to index
        %get3A_709 = arith.constant 16 : index
        %get3A_710 = tpu.vector_load %arg10[%get3A_708, %get3A_709] {strides = array<i32>} : memref<208x128xf32, #tpu.memory_space<vmem>>, vector<1x16xf32>,
        %get3A_711 = vector.shape_cast %get3A_710 : vector<1x16xf32> to vector<16xf32>
        %add3A_712 = arith.addf %get3A_705, %get3A_711 : vector<16xf32>
        %add3A_713 = arith.constant 1 : i32
        %add3A_714 = arith.addi %scan3A_664, %add3A_713 : i32
        %get3A_715 = arith.index_cast %add3A_714 : i32 to index
        %get3A_716 = arith.constant 16 : index
        %get3A_717 = tpu.vector_load %arg11[%get3A_715, %get3A_716] {strides = array<i32>} : memref<208x128xf32, #tpu.memory_space<vmem>>, vector<1x16xf32>,
        %get3A_718 = vector.shape_cast %get3A_717 : vector<1x16xf32> to vector<16xf32>
        %add3A_719 = arith.addf %add3A_712, %get3A_718 : vector<16xf32>
        %add3A_720 = arith.addf %scan3A_666, %add3A_719 : vector<16xf32>
        %sub3A_721 = arith.constant 0 : i32
        %sub3A_722 = arith.subi %scan3A_664, %sub3A_721 : i32
        %swap3A_723 = arith.index_cast %sub3A_722 : i32 to index
        %swap3A_724 = arith.constant 16 : index
        %swap3A_725 = tpu.vector_load %arg12[%swap3A_723, %swap3A_724] {strides = array<i32>} : memref<104x128xf32, #tpu.memory_space<vmem>>, vector<1x16xf32>,
        %swap3A_726 = vector.shape_cast %swap3A_725 : vector<1x16xf32> to vector<16xf32>
        %swap3A_727 = vector.shape_cast %add3A_720 : vector<16xf32> to vector<1x16xf32>
        tpu.vector_store %arg12[%swap3A_723, %swap3A_724], %swap3A_727 {strides = array<i32>} : memref<104x128xf32, #tpu.memory_space<vmem>>, vector<1x16xf32>,
        %add3A_728 = arith.constant 1 : i32
        %add3A_729 = arith.addi %scan3A_664, %add3A_728 : i32
        %get3A_730 = arith.index_cast %add3A_729 : i32 to index
        %get3A_731 = arith.constant 32 : index
        %get3A_732 = tpu.vector_load %arg9[%get3A_730, %get3A_731] {strides = array<i32>} : memref<208x128xf32, #tpu.memory_space<vmem>>, vector<1x16xf32>,
        %get3A_733 = vector.shape_cast %get3A_732 : vector<1x16xf32> to vector<16xf32>
        %add3A_734 = arith.constant 1 : i32
        %add3A_735 = arith.addi %scan3A_664, %add3A_734 : i32
        %get3A_736 = arith.index_cast %add3A_735 : i32 to index
        %get3A_737 = arith.constant 32 : index
        %get3A_738 = tpu.vector_load %arg10[%get3A_736, %get3A_737] {strides = array<i32>} : memref<208x128xf32, #tpu.memory_space<vmem>>, vector<1x16xf32>,
        %get3A_739 = vector.shape_cast %get3A_738 : vector<1x16xf32> to vector<16xf32>
        %add3A_740 = arith.addf %get3A_733, %get3A_739 : vector<16xf32>
        %add3A_741 = arith.constant 1 : i32
        %add3A_742 = arith.addi %scan3A_664, %add3A_741 : i32
        %get3A_743 = arith.index_cast %add3A_742 : i32 to index
        %get3A_744 = arith.constant 32 : index
        %get3A_745 = tpu.vector_load %arg11[%get3A_743, %get3A_744] {strides = array<i32>} : memref<208x128xf32, #tpu.memory_space<vmem>>, vector<1x16xf32>,
        %get3A_746 = vector.shape_cast %get3A_745 : vector<1x16xf32> to vector<16xf32>
        %add3A_747 = arith.addf %add3A_740, %get3A_746 : vector<16xf32>
        %add3A_748 = arith.addf %scan3A_667, %add3A_747 : vector<16xf32>
        %sub3A_749 = arith.constant 0 : i32
        %sub3A_750 = arith.subi %scan3A_664, %sub3A_749 : i32
        %swap3A_751 = arith.index_cast %sub3A_750 : i32 to index
        %swap3A_752 = arith.constant 32 : index
        %swap3A_753 = tpu.vector_load %arg12[%swap3A_751, %swap3A_752] {strides = array<i32>} : memref<104x128xf32, #tpu.memory_space<vmem>>, vector<1x16xf32>,
        %swap3A_754 = vector.shape_cast %swap3A_753 : vector<1x16xf32> to vector<16xf32>
        %swap3A_755 = vector.shape_cast %add3A_748 : vector<16xf32> to vector<1x16xf32>
        tpu.vector_store %arg12[%swap3A_751, %swap3A_752], %swap3A_755 {strides = array<i32>} : memref<104x128xf32, #tpu.memory_space<vmem>>, vector<1x16xf32>,
        %add3A_756 = arith.constant 1 : i32
        %add3A_757 = arith.addi %scan3A_664, %add3A_756 : i32
        %get3A_758 = arith.index_cast %add3A_757 : i32 to index
        %get3A_759 = arith.constant 48 : index
        %get3A_760 = tpu.vector_load %arg9[%get3A_758, %get3A_759] {strides = array<i32>} : memref<208x128xf32, #tpu.memory_space<vmem>>, vector<1x16xf32>,
        %get3A_761 = vector.shape_cast %get3A_760 : vector<1x16xf32> to vector<16xf32>
        %add3A_762 = arith.constant 1 : i32
        %add3A_763 = arith.addi %scan3A_664, %add3A_762 : i32
        %get3A_764 = arith.index_cast %add3A_763 : i32 to index
        %get3A_765 = arith.constant 48 : index
        %get3A_766 = tpu.vector_load %arg10[%get3A_764, %get3A_765] {strides = array<i32>} : memref<208x128xf32, #tpu.memory_space<vmem>>, vector<1x16xf32>,
        %get3A_767 = vector.shape_cast %get3A_766 : vector<1x16xf32> to vector<16xf32>
        %add3A_768 = arith.addf %get3A_761, %get3A_767 : vector<16xf32>
        %add3A_769 = arith.constant 1 : i32
        %add3A_770 = arith.addi %scan3A_664, %add3A_769 : i32
        %get3A_771 = arith.index_cast %add3A_770 : i32 to index
        %get3A_772 = arith.constant 48 : index
        %get3A_773 = tpu.vector_load %arg11[%get3A_771, %get3A_772] {strides = array<i32>} : memref<208x128xf32, #tpu.memory_space<vmem>>, vector<1x16xf32>,
        %get3A_774 = vector.shape_cast %get3A_773 : vector<1x16xf32> to vector<16xf32>
        %add3A_775 = arith.addf %add3A_768, %get3A_774 : vector<16xf32>
        %add3A_776 = arith.addf %scan3A_668, %add3A_775 : vector<16xf32>
        %sub3A_777 = arith.constant 0 : i32
        %sub3A_778 = arith.subi %scan3A_664, %sub3A_777 : i32
        %swap3A_779 = arith.index_cast %sub3A_778 : i32 to index
        %swap3A_780 = arith.constant 48 : index
        %swap3A_781 = tpu.vector_load %arg12[%swap3A_779, %swap3A_780] {strides = array<i32>} : memref<104x128xf32, #tpu.memory_space<vmem>>, vector<1x16xf32>,
        %swap3A_782 = vector.shape_cast %swap3A_781 : vector<1x16xf32> to vector<16xf32>
        %swap3A_783 = vector.shape_cast %add3A_776 : vector<16xf32> to vector<1x16xf32>
        tpu.vector_store %arg12[%swap3A_779, %swap3A_780], %swap3A_783 {strides = array<i32>} : memref<104x128xf32, #tpu.memory_space<vmem>>, vector<1x16xf32>,
        %add3A_784 = arith.constant 1 : i32
        %add3A_785 = arith.addi %scan3A_664, %add3A_784 : i32
        %get3A_786 = arith.index_cast %add3A_785 : i32 to index
        %get3A_787 = arith.constant 64 : index
        %get3A_788 = tpu.vector_load %arg9[%get3A_786, %get3A_787] {strides = array<i32>} : memref<208x128xf32, #tpu.memory_space<vmem>>, vector<1x16xf32>,
        %get3A_789 = vector.shape_cast %get3A_788 : vector<1x16xf32> to vector<16xf32>
        %add3A_790 = arith.constant 1 : i32
        %add3A_791 = arith.addi %scan3A_664, %add3A_790 : i32
        %get3A_792 = arith.index_cast %add3A_791 : i32 to index
        %get3A_793 = arith.constant 64 : index
        %get3A_794 = tpu.vector_load %arg10[%get3A_792, %get3A_793] {strides = array<i32>} : memref<208x128xf32, #tpu.memory_space<vmem>>, vector<1x16xf32>,
        %get3A_795 = vector.shape_cast %get3A_794 : vector<1x16xf32> to vector<16xf32>
        %add3A_796 = arith.addf %get3A_789, %get3A_795 : vector<16xf32>
        %add3A_797 = arith.constant 1 : i32
        %add3A_798 = arith.addi %scan3A_664, %add3A_797 : i32
        %get3A_799 = arith.index_cast %add3A_798 : i32 to index
        %get3A_800 = arith.constant 64 : index
        %get3A_801 = tpu.vector_load %arg11[%get3A_799, %get3A_800] {strides = array<i32>} : memref<208x128xf32, #tpu.memory_space<vmem>>, vector<1x16xf32>,
        %get3A_802 = vector.shape_cast %get3A_801 : vector<1x16xf32> to vector<16xf32>
        %add3A_803 = arith.addf %add3A_796, %get3A_802 : vector<16xf32>
        %add3A_804 = arith.addf %scan3A_669, %add3A_803 : vector<16xf32>
        %sub3A_805 = arith.constant 0 : i32
        %sub3A_806 = arith.subi %scan3A_664, %sub3A_805 : i32
        %swap3A_807 = arith.index_cast %sub3A_806 : i32 to index
        %swap3A_808 = arith.constant 64 : index
        %swap3A_809 = tpu.vector_load %arg12[%swap3A_807, %swap3A_808] {strides = array<i32>} : memref<104x128xf32, #tpu.memory_space<vmem>>, vector<1x16xf32>,
        %swap3A_810 = vector.shape_cast %swap3A_809 : vector<1x16xf32> to vector<16xf32>
        %swap3A_811 = vector.shape_cast %add3A_804 : vector<16xf32> to vector<1x16xf32>
        tpu.vector_store %arg12[%swap3A_807, %swap3A_808], %swap3A_811 {strides = array<i32>} : memref<104x128xf32, #tpu.memory_space<vmem>>, vector<1x16xf32>,
        %add3A_812 = arith.constant 1 : i32
        %add3A_813 = arith.addi %scan3A_664, %add3A_812 : i32
        %get3A_814 = arith.index_cast %add3A_813 : i32 to index
        %get3A_815 = arith.constant 80 : index
        %get3A_816 = tpu.vector_load %arg9[%get3A_814, %get3A_815] {strides = array<i32>} : memref<208x128xf32, #tpu.memory_space<vmem>>, vector<1x16xf32>,
        %get3A_817 = vector.shape_cast %get3A_816 : vector<1x16xf32> to vector<16xf32>
        %add3A_818 = arith.constant 1 : i32
        %add3A_819 = arith.addi %scan3A_664, %add3A_818 : i32
        %get3A_820 = arith.index_cast %add3A_819 : i32 to index
        %get3A_821 = arith.constant 80 : index
        %get3A_822 = tpu.vector_load %arg10[%get3A_820, %get3A_821] {strides = array<i32>} : memref<208x128xf32, #tpu.memory_space<vmem>>, vector<1x16xf32>,
        %get3A_823 = vector.shape_cast %get3A_822 : vector<1x16xf32> to vector<16xf32>
        %add3A_824 = arith.addf %get3A_817, %get3A_823 : vector<16xf32>
        %add3A_825 = arith.constant 1 : i32
        %add3A_826 = arith.addi %scan3A_664, %add3A_825 : i32
        %get3A_827 = arith.index_cast %add3A_826 : i32 to index
        %get3A_828 = arith.constant 80 : index
        %get3A_829 = tpu.vector_load %arg11[%get3A_827, %get3A_828] {strides = array<i32>} : memref<208x128xf32, #tpu.memory_space<vmem>>, vector<1x16xf32>,
        %get3A_830 = vector.shape_cast %get3A_829 : vector<1x16xf32> to vector<16xf32>
        %add3A_831 = arith.addf %add3A_824, %get3A_830 : vector<16xf32>
        %add3A_832 = arith.addf %scan3A_670, %add3A_831 : vector<16xf32>
        %sub3A_833 = arith.constant 0 : i32
        %sub3A_834 = arith.subi %scan3A_664, %sub3A_833 : i32
        %swap3A_835 = arith.index_cast %sub3A_834 : i32 to index
        %swap3A_836 = arith.constant 80 : index
        %swap3A_837 = tpu.vector_load %arg12[%swap3A_835, %swap3A_836] {strides = array<i32>} : memref<104x128xf32, #tpu.memory_space<vmem>>, vector<1x16xf32>,
        %swap3A_838 = vector.shape_cast %swap3A_837 : vector<1x16xf32> to vector<16xf32>
        %swap3A_839 = vector.shape_cast %add3A_832 : vector<16xf32> to vector<1x16xf32>
        tpu.vector_store %arg12[%swap3A_835, %swap3A_836], %swap3A_839 {strides = array<i32>} : memref<104x128xf32, #tpu.memory_space<vmem>>, vector<1x16xf32>,
        %add3A_840 = arith.constant 1 : i32
        %add3A_841 = arith.addi %scan3A_664, %add3A_840 : i32
        %get3A_842 = arith.index_cast %add3A_841 : i32 to index
        %get3A_843 = arith.constant 96 : index
        %get3A_844 = tpu.vector_load %arg9[%get3A_842, %get3A_843] {strides = array<i32>} : memref<208x128xf32, #tpu.memory_space<vmem>>, vector<1x16xf32>,
        %get3A_845 = vector.shape_cast %get3A_844 : vector<1x16xf32> to vector<16xf32>
        %add3A_846 = arith.constant 1 : i32
        %add3A_847 = arith.addi %scan3A_664, %add3A_846 : i32
        %get3A_848 = arith.index_cast %add3A_847 : i32 to index
        %get3A_849 = arith.constant 96 : index
        %get3A_850 = tpu.vector_load %arg10[%get3A_848, %get3A_849] {strides = array<i32>} : memref<208x128xf32, #tpu.memory_space<vmem>>, vector<1x16xf32>,
        %get3A_851 = vector.shape_cast %get3A_850 : vector<1x16xf32> to vector<16xf32>
        %add3A_852 = arith.addf %get3A_845, %get3A_851 : vector<16xf32>
        %add3A_853 = arith.constant 1 : i32
        %add3A_854 = arith.addi %scan3A_664, %add3A_853 : i32
        %get3A_855 = arith.index_cast %add3A_854 : i32 to index
        %get3A_856 = arith.constant 96 : index
        %get3A_857 = tpu.vector_load %arg11[%get3A_855, %get3A_856] {strides = array<i32>} : memref<208x128xf32, #tpu.memory_space<vmem>>, vector<1x16xf32>,
        %get3A_858 = vector.shape_cast %get3A_857 : vector<1x16xf32> to vector<16xf32>
        %add3A_859 = arith.addf %add3A_852, %get3A_858 : vector<16xf32>
        %add3A_860 = arith.addf %scan3A_671, %add3A_859 : vector<16xf32>
        %sub3A_861 = arith.constant 0 : i32
        %sub3A_862 = arith.subi %scan3A_664, %sub3A_861 : i32
        %swap3A_863 = arith.index_cast %sub3A_862 : i32 to index
        %swap3A_864 = arith.constant 96 : index
        %swap3A_865 = tpu.vector_load %arg12[%swap3A_863, %swap3A_864] {strides = array<i32>} : memref<104x128xf32, #tpu.memory_space<vmem>>, vector<1x16xf32>,
        %swap3A_866 = vector.shape_cast %swap3A_865 : vector<1x16xf32> to vector<16xf32>
        %swap3A_867 = vector.shape_cast %add3A_860 : vector<16xf32> to vector<1x16xf32>
        tpu.vector_store %arg12[%swap3A_863, %swap3A_864], %swap3A_867 {strides = array<i32>} : memref<104x128xf32, #tpu.memory_space<vmem>>, vector<1x16xf32>,
        %add3A_868 = arith.constant 1 : i32
        %add3A_869 = arith.addi %scan3A_664, %add3A_868 : i32
        %get3A_870 = arith.index_cast %add3A_869 : i32 to index
        %get3A_871 = arith.constant 112 : index
        %get3A_872 = tpu.vector_load %arg9[%get3A_870, %get3A_871] {strides = array<i32>} : memref<208x128xf32, #tpu.memory_space<vmem>>, vector<1x16xf32>,
        %get3A_873 = vector.shape_cast %get3A_872 : vector<1x16xf32> to vector<16xf32>
        %add3A_874 = arith.constant 1 : i32
        %add3A_875 = arith.addi %scan3A_664, %add3A_874 : i32
        %get3A_876 = arith.index_cast %add3A_875 : i32 to index
        %get3A_877 = arith.constant 112 : index
        %get3A_878 = tpu.vector_load %arg10[%get3A_876, %get3A_877] {strides = array<i32>} : memref<208x128xf32, #tpu.memory_space<vmem>>, vector<1x16xf32>,
        %get3A_879 = vector.shape_cast %get3A_878 : vector<1x16xf32> to vector<16xf32>
        %add3A_880 = arith.addf %get3A_873, %get3A_879 : vector<16xf32>
        %add3A_881 = arith.constant 1 : i32
        %add3A_882 = arith.addi %scan3A_664, %add3A_881 : i32
        %get3A_883 = arith.index_cast %add3A_882 : i32 to index
        %get3A_884 = arith.constant 112 : index
        %get3A_885 = tpu.vector_load %arg11[%get3A_883, %get3A_884] {strides = array<i32>} : memref<208x128xf32, #tpu.memory_space<vmem>>, vector<1x16xf32>,
        %get3A_886 = vector.shape_cast %get3A_885 : vector<1x16xf32> to vector<16xf32>
        %add3A_887 = arith.addf %add3A_880, %get3A_886 : vector<16xf32>
        %add3A_888 = arith.addf %scan3A_672, %add3A_887 : vector<16xf32>
        %sub3A_889 = arith.constant 0 : i32
        %sub3A_890 = arith.subi %scan3A_664, %sub3A_889 : i32
        %swap3A_891 = arith.index_cast %sub3A_890 : i32 to index
        %swap3A_892 = arith.constant 112 : index
        %swap3A_893 = tpu.vector_load %arg12[%swap3A_891, %swap3A_892] {strides = array<i32>} : memref<104x128xf32, #tpu.memory_space<vmem>>, vector<1x16xf32>,
        %swap3A_894 = vector.shape_cast %swap3A_893 : vector<1x16xf32> to vector<16xf32>
        %swap3A_895 = vector.shape_cast %add3A_888 : vector<16xf32> to vector<1x16xf32>
        tpu.vector_store %arg12[%swap3A_891, %swap3A_892], %swap3A_895 {strides = array<i32>} : memref<104x128xf32, #tpu.memory_space<vmem>>, vector<1x16xf32>,
        scf.yield %add3A_692, %add3A_719, %add3A_747, %add3A_775, %add3A_803, %add3A_831, %add3A_859, %add3A_887 : vector<16xf32>, vector<16xf32>, vector<16xf32>, vector<16xf32>, vector<16xf32>, vector<16xf32>, vector<16xf32>, vector<16xf32>
      }
      %scan3A_393 = arith.constant 103 : i32
      %lt3A = arith.constant 31 : i32
      %lt3A_394 = arith.cmpi slt, %scan3A_210, %lt3A : i32
      %convert_element_type3A_395 = arith.extui %lt3A_394 : i1 to i32
      %cond3A_396 = arith.constant 0 : i32
      %cond3A_397 = arith.cmpi ne, %convert_element_type3A_395, %cond3A_396 : i32
      scf.if %cond3A_397 {
        %add3A_664 = arith.constant 1 : i32
        %add3A_665 = arith.addi %scan3A_210, %add3A_664 : i32
        %jit3A = arith.constant 2 : i32
        %eq3A = arith.constant 0 : i32
        %eq3A_666 = arith.cmpi eq, %jit3A, %eq3A : i32
        %jit3A_667 = arith.constant 1 : i32
        %select_n3A = arith.select %eq3A_666, %jit3A_667, %jit3A : i32
        %rem3A = arith.remsi %add3A_665, %select_n3A : i32
        %ne3A = arith.constant 0 : i32
        %ne3A_668 = arith.cmpi ne, %rem3A, %ne3A : i32
        %lt3A_669 = arith.constant 0 : i32
        %lt3A_670 = arith.cmpi slt, %rem3A, %lt3A_669 : i32
        %lt3A_671 = arith.constant 0 : i32
        %lt3A_672 = arith.cmpi slt, %select_n3A, %lt3A_671 : i32
        %ne3A_673 = arith.xori %lt3A_670, %lt3A_672 : i1
        %and3A = arith.andi %ne3A_673, %ne3A_668 : i1
        %add3A_674 = arith.addi %rem3A, %select_n3A : i32
        %select_n3A_675 = arith.select %and3A, %add3A_674, %rem3A : i32
        %mul3A_676 = arith.constant 600 : i32
        %mul3A_677 = arith.muli %select_n3A_675, %mul3A_676 : i32
        %multiple_of3A_678 = tpu.assume_multiple %mul3A_677, 8 : i32
        %dma_wait3A_679 = tpu.memref_slice %arg8[%multiple_of3A_678] : memref<1200xi32, #tpu.memory_space<vmem>> -> memref<600xi32, #tpu.memory_space<vmem>>
        %dma_wait3A_680 = arith.constant 0 : i32
        %dma_wait3A_681 = tpu.memref_slice %arg6[%dma_wait3A_680] : memref<614400xi32, #tpu.memory_space<hbm>> -> memref<600xi32, #tpu.memory_space<hbm>>
        %dma_wait3A_682 = tpu.memref_slice %arg8[%multiple_of3A_678] : memref<1200xi32, #tpu.memory_space<vmem>> -> memref<600xi32, #tpu.memory_space<vmem>>
        %dma_wait3A_683 = arith.constant 0 : i32
        %dma_wait3A_684 = tpu.memref_slice %arg6[%dma_wait3A_683] : memref<614400xi32, #tpu.memory_space<hbm>> -> memref<600xi32, #tpu.memory_space<hbm>>
        tpu.wait_dma2 semaphore(%arg16 : memref<!tpu.dma_semaphore, #tpu.memory_space<semaphore_mem>>) src(%dma_wait3A_684 : memref<600xi32, #tpu.memory_space<hbm>>) dst(%dma_wait3A_682 : memref<600xi32, #tpu.memory_space<vmem>>)
        %add3A_685 = arith.constant 1 : i32
        %add3A_686 = arith.addi %scan3A_210, %add3A_685 : i32
        %jit3A_687 = arith.constant 2 : i32
        %eq3A_688 = arith.constant 0 : i32
        %eq3A_689 = arith.cmpi eq, %jit3A_687, %eq3A_688 : i32
        %jit3A_690 = arith.constant 1 : i32
        %select_n3A_691 = arith.select %eq3A_689, %jit3A_690, %jit3A_687 : i32
        %rem3A_692 = arith.remsi %add3A_686, %select_n3A_691 : i32
        %ne3A_693 = arith.constant 0 : i32
        %ne3A_694 = arith.cmpi ne, %rem3A_692, %ne3A_693 : i32
        %lt3A_695 = arith.constant 0 : i32
        %lt3A_696 = arith.cmpi slt, %rem3A_692, %lt3A_695 : i32
        %lt3A_697 = arith.constant 0 : i32
        %lt3A_698 = arith.cmpi slt, %select_n3A_691, %lt3A_697 : i32
        %ne3A_699 = arith.xori %lt3A_696, %lt3A_698 : i1
        %and3A_700 = arith.andi %ne3A_699, %ne3A_694 : i1
        %add3A_701 = arith.addi %rem3A_692, %select_n3A_691 : i32
        %select_n3A_702 = arith.select %and3A_700, %add3A_701, %rem3A_692 : i32
        %mul3A_703 = arith.constant 600 : i32
        %mul3A_704 = arith.muli %select_n3A_702, %mul3A_703 : i32
        %multiple_of3A_705 = tpu.assume_multiple %mul3A_704, 8 : i32
        %add3A_706 = arith.constant 0 : i32
        %add3A_707 = arith.addi %multiple_of3A_705, %add3A_706 : i32
        %dma_start3A_708 = arith.constant 0 : i32
        %dma_start3A_709 = arith.constant 0 : i32
        %dma_start3A_710 = tpu.memref_slice %arg9[%dma_start3A_708, %dma_start3A_709] : memref<208x128xf32, #tpu.memory_space<vmem>> -> memref<104x128xf32, #tpu.memory_space<vmem>>
        %dma_start3A_711 = tpu.memref_slice %arg8[%add3A_707] : memref<1200xi32, #tpu.memory_space<vmem>> -> memref<104xi32, #tpu.memory_space<vmem>>
        %dma_start3A_712 = arith.constant 0 : i32
        %dma_start3A_713 = arith.constant 0 : i32
        %dma_start3A_714 = tpu.memref_slice %arg2[%dma_start3A_712, %dma_start3A_713] : memref<65536x128xf32, #tpu.memory_space<hbm>> -> memref<65536x128xf32, #tpu.memory_space<hbm>>
        tpu.enqueue_indirect_dma source(%dma_start3A_714 : memref<65536x128xf32, #tpu.memory_space<hbm>>) target(%dma_start3A_710 : memref<104x128xf32, #tpu.memory_space<vmem>>) offsets(%dma_start3A_711 : memref<104xi32, #tpu.memory_space<vmem>>) semaphore(%arg14 : memref<!tpu.dma_semaphore, #tpu.memory_space<semaphore_mem>>)
        %add3A_715 = arith.constant 200 : i32
        %add3A_716 = arith.addi %multiple_of3A_705, %add3A_715 : i32
        %dma_start3A_717 = arith.constant 0 : i32
        %dma_start3A_718 = arith.constant 0 : i32
        %dma_start3A_719 = tpu.memref_slice %arg10[%dma_start3A_717, %dma_start3A_718] : memref<208x128xf32, #tpu.memory_space<vmem>> -> memref<104x128xf32, #tpu.memory_space<vmem>>
        %dma_start3A_720 = tpu.memref_slice %arg8[%add3A_716] : memref<1200xi32, #tpu.memory_space<vmem>> -> memref<104xi32, #tpu.memory_space<vmem>>
        %dma_start3A_721 = arith.constant 0 : i32
        %dma_start3A_722 = arith.constant 0 : i32
        %dma_start3A_723 = tpu.memref_slice %arg3[%dma_start3A_721, %dma_start3A_722] : memref<65536x128xf32, #tpu.memory_space<hbm>> -> memref<65536x128xf32, #tpu.memory_space<hbm>>
        tpu.enqueue_indirect_dma source(%dma_start3A_723 : memref<65536x128xf32, #tpu.memory_space<hbm>>) target(%dma_start3A_719 : memref<104x128xf32, #tpu.memory_space<vmem>>) offsets(%dma_start3A_720 : memref<104xi32, #tpu.memory_space<vmem>>) semaphore(%arg14 : memref<!tpu.dma_semaphore, #tpu.memory_space<semaphore_mem>>)
        %add3A_724 = arith.constant 400 : i32
        %add3A_725 = arith.addi %multiple_of3A_705, %add3A_724 : i32
        %dma_start3A_726 = arith.constant 0 : i32
        %dma_start3A_727 = arith.constant 0 : i32
        %dma_start3A_728 = tpu.memref_slice %arg11[%dma_start3A_726, %dma_start3A_727] : memref<208x128xf32, #tpu.memory_space<vmem>> -> memref<104x128xf32, #tpu.memory_space<vmem>>
        %dma_start3A_729 = tpu.memref_slice %arg8[%add3A_725] : memref<1200xi32, #tpu.memory_space<vmem>> -> memref<104xi32, #tpu.memory_space<vmem>>
        %dma_start3A_730 = arith.constant 0 : i32
        %dma_start3A_731 = arith.constant 0 : i32
        %dma_start3A_732 = tpu.memref_slice %arg4[%dma_start3A_730, %dma_start3A_731] : memref<65536x128xf32, #tpu.memory_space<hbm>> -> memref<65536x128xf32, #tpu.memory_space<hbm>>
        tpu.enqueue_indirect_dma source(%dma_start3A_732 : memref<65536x128xf32, #tpu.memory_space<hbm>>) target(%dma_start3A_728 : memref<104x128xf32, #tpu.memory_space<vmem>>) offsets(%dma_start3A_729 : memref<104xi32, #tpu.memory_space<vmem>>) semaphore(%arg14 : memref<!tpu.dma_semaphore, #tpu.memory_space<semaphore_mem>>)
      } else {
      }
      %dma_wait3A_398 = arith.constant 104 : i32
      %dma_wait3A_399 = arith.constant 0 : i32
      %dma_wait3A_400 = tpu.memref_slice %arg9[%dma_wait3A_398, %dma_wait3A_399] : memref<208x128xf32, #tpu.memory_space<vmem>> -> memref<96x128xf32, #tpu.memory_space<vmem>>
      %dma_wait3A_401 = arith.constant 0 : i32
      %dma_wait3A_402 = arith.constant 0 : i32
      %dma_wait3A_403 = tpu.memref_slice %arg2[%dma_wait3A_401, %dma_wait3A_402] : memref<65536x128xf32, #tpu.memory_space<hbm>> -> memref<96x128xf32, #tpu.memory_space<hbm>>
      %dma_wait3A_404 = arith.constant 104 : i32
      %dma_wait3A_405 = arith.constant 0 : i32
      %dma_wait3A_406 = tpu.memref_slice %arg9[%dma_wait3A_404, %dma_wait3A_405] : memref<208x128xf32, #tpu.memory_space<vmem>> -> memref<96x128xf32, #tpu.memory_space<vmem>>
      %dma_wait3A_407 = arith.constant 0 : i32
      %dma_wait3A_408 = arith.constant 0 : i32
      %dma_wait3A_409 = tpu.memref_slice %arg2[%dma_wait3A_407, %dma_wait3A_408] : memref<65536x128xf32, #tpu.memory_space<hbm>> -> memref<96x128xf32, #tpu.memory_space<hbm>>
      tpu.wait_dma2 semaphore(%arg15 : memref<!tpu.dma_semaphore, #tpu.memory_space<semaphore_mem>>) src(%dma_wait3A_409 : memref<96x128xf32, #tpu.memory_space<hbm>>) dst(%dma_wait3A_406 : memref<96x128xf32, #tpu.memory_space<vmem>>)
      %dma_wait3A_410 = arith.constant 104 : i32
      %dma_wait3A_411 = arith.constant 0 : i32
      %dma_wait3A_412 = tpu.memref_slice %arg10[%dma_wait3A_410, %dma_wait3A_411] : memref<208x128xf32, #tpu.memory_space<vmem>> -> memref<96x128xf32, #tpu.memory_space<vmem>>
      %dma_wait3A_413 = arith.constant 0 : i32
      %dma_wait3A_414 = arith.constant 0 : i32
      %dma_wait3A_415 = tpu.memref_slice %arg3[%dma_wait3A_413, %dma_wait3A_414] : memref<65536x128xf32, #tpu.memory_space<hbm>> -> memref<96x128xf32, #tpu.memory_space<hbm>>
      %dma_wait3A_416 = arith.constant 104 : i32
      %dma_wait3A_417 = arith.constant 0 : i32
      %dma_wait3A_418 = tpu.memref_slice %arg10[%dma_wait3A_416, %dma_wait3A_417] : memref<208x128xf32, #tpu.memory_space<vmem>> -> memref<96x128xf32, #tpu.memory_space<vmem>>
      %dma_wait3A_419 = arith.constant 0 : i32
      %dma_wait3A_420 = arith.constant 0 : i32
      %dma_wait3A_421 = tpu.memref_slice %arg3[%dma_wait3A_419, %dma_wait3A_420] : memref<65536x128xf32, #tpu.memory_space<hbm>> -> memref<96x128xf32, #tpu.memory_space<hbm>>
      tpu.wait_dma2 semaphore(%arg15 : memref<!tpu.dma_semaphore, #tpu.memory_space<semaphore_mem>>) src(%dma_wait3A_421 : memref<96x128xf32, #tpu.memory_space<hbm>>) dst(%dma_wait3A_418 : memref<96x128xf32, #tpu.memory_space<vmem>>)
      %dma_wait3A_422 = arith.constant 104 : i32
      %dma_wait3A_423 = arith.constant 0 : i32
      %dma_wait3A_424 = tpu.memref_slice %arg11[%dma_wait3A_422, %dma_wait3A_423] : memref<208x128xf32, #tpu.memory_space<vmem>> -> memref<96x128xf32, #tpu.memory_space<vmem>>
      %dma_wait3A_425 = arith.constant 0 : i32
      %dma_wait3A_426 = arith.constant 0 : i32
      %dma_wait3A_427 = tpu.memref_slice %arg4[%dma_wait3A_425, %dma_wait3A_426] : memref<65536x128xf32, #tpu.memory_space<hbm>> -> memref<96x128xf32, #tpu.memory_space<hbm>>
      %dma_wait3A_428 = arith.constant 104 : i32
      %dma_wait3A_429 = arith.constant 0 : i32
      %dma_wait3A_430 = tpu.memref_slice %arg11[%dma_wait3A_428, %dma_wait3A_429] : memref<208x128xf32, #tpu.memory_space<vmem>> -> memref<96x128xf32, #tpu.memory_space<vmem>>
      %dma_wait3A_431 = arith.constant 0 : i32
      %dma_wait3A_432 = arith.constant 0 : i32
      %dma_wait3A_433 = tpu.memref_slice %arg4[%dma_wait3A_431, %dma_wait3A_432] : memref<65536x128xf32, #tpu.memory_space<hbm>> -> memref<96x128xf32, #tpu.memory_space<hbm>>
      tpu.wait_dma2 semaphore(%arg15 : memref<!tpu.dma_semaphore, #tpu.memory_space<semaphore_mem>>) src(%dma_wait3A_433 : memref<96x128xf32, #tpu.memory_space<hbm>>) dst(%dma_wait3A_430 : memref<96x128xf32, #tpu.memory_space<vmem>>)
      %lt3A_434 = arith.constant 30 : i32
      %lt3A_435 = arith.cmpi slt, %scan3A_210, %lt3A_434 : i32
      %convert_element_type3A_436 = arith.extui %lt3A_435 : i1 to i32
      %cond3A_437 = arith.constant 0 : i32
      %cond3A_438 = arith.cmpi ne, %convert_element_type3A_436, %cond3A_437 : i32
      scf.if %cond3A_438 {
        %add3A_664 = arith.constant 2 : i32
        %add3A_665 = arith.addi %scan3A_210, %add3A_664 : i32
        %mul3A_666 = arith.constant 32 : i32
        %mul3A_667 = arith.muli %mul3A_666, %add3A_665 : i32
        %add3A_668 = arith.addi %add3A, %mul3A_667 : i32
        %mul3A_669 = arith.constant 600 : i32
        %mul3A_670 = arith.muli %add3A_668, %mul3A_669 : i32
        %jit3A = arith.constant 2 : i32
        %eq3A = arith.constant 0 : i32
        %eq3A_671 = arith.cmpi eq, %jit3A, %eq3A : i32
        %jit3A_672 = arith.constant 1 : i32
        %select_n3A = arith.select %eq3A_671, %jit3A_672, %jit3A : i32
        %rem3A = arith.remsi %add3A_665, %select_n3A : i32
        %ne3A = arith.constant 0 : i32
        %ne3A_673 = arith.cmpi ne, %rem3A, %ne3A : i32
        %lt3A_674 = arith.constant 0 : i32
        %lt3A_675 = arith.cmpi slt, %rem3A, %lt3A_674 : i32
        %lt3A_676 = arith.constant 0 : i32
        %lt3A_677 = arith.cmpi slt, %select_n3A, %lt3A_676 : i32
        %ne3A_678 = arith.xori %lt3A_675, %lt3A_677 : i1
        %and3A = arith.andi %ne3A_678, %ne3A_673 : i1
        %add3A_679 = arith.addi %rem3A, %select_n3A : i32
        %select_n3A_680 = arith.select %and3A, %add3A_679, %rem3A : i32
        %mul3A_681 = arith.constant 600 : i32
        %mul3A_682 = arith.muli %select_n3A_680, %mul3A_681 : i32
        %multiple_of3A_683 = tpu.assume_multiple %mul3A_682, 8 : i32
        %dma_start3A_684 = tpu.memref_slice %arg8[%multiple_of3A_683] : memref<1200xi32, #tpu.memory_space<vmem>> -> memref<600xi32, #tpu.memory_space<vmem>>
        %dma_start3A_685 = tpu.memref_slice %arg6[%mul3A_670] : memref<614400xi32, #tpu.memory_space<hbm>> -> memref<600xi32, #tpu.memory_space<hbm>>
        %dma_start3A_686 = tpu.memref_slice %arg8[%multiple_of3A_683] : memref<1200xi32, #tpu.memory_space<vmem>> -> memref<600xi32, #tpu.memory_space<vmem>>
        %dma_start3A_687 = tpu.memref_slice %arg6[%mul3A_670] : memref<614400xi32, #tpu.memory_space<hbm>> -> memref<600xi32, #tpu.memory_space<hbm>>
        tpu.enqueue_dma source(%dma_start3A_687 : memref<600xi32, #tpu.memory_space<hbm>>) target(%dma_start3A_686 : memref<600xi32, #tpu.memory_space<vmem>>) target_semaphore(%arg16 : memref<!tpu.dma_semaphore, #tpu.memory_space<semaphore_mem>>)
      } else {
      }
      %get3A_439 = arith.constant 104 : i32
      %get3A_440 = arith.index_cast %get3A_439 : i32 to index
      %get3A_441 = arith.constant 0 : index
      %get3A_442 = tpu.vector_load %arg9[%get3A_440, %get3A_441] {strides = array<i32>} : memref<208x128xf32, #tpu.memory_space<vmem>>, vector<1x16xf32>,
      %get3A_443 = vector.shape_cast %get3A_442 : vector<1x16xf32> to vector<16xf32>
      %get3A_444 = arith.constant 104 : i32
      %get3A_445 = arith.index_cast %get3A_444 : i32 to index
      %get3A_446 = arith.constant 0 : index
      %get3A_447 = tpu.vector_load %arg10[%get3A_445, %get3A_446] {strides = array<i32>} : memref<208x128xf32, #tpu.memory_space<vmem>>, vector<1x16xf32>,
      %get3A_448 = vector.shape_cast %get3A_447 : vector<1x16xf32> to vector<16xf32>
      %add3A_449 = arith.addf %get3A_443, %get3A_448 : vector<16xf32>
      %get3A_450 = arith.constant 104 : i32
      %get3A_451 = arith.index_cast %get3A_450 : i32 to index
      %get3A_452 = arith.constant 0 : index
      %get3A_453 = tpu.vector_load %arg11[%get3A_451, %get3A_452] {strides = array<i32>} : memref<208x128xf32, #tpu.memory_space<vmem>>, vector<1x16xf32>,
      %get3A_454 = vector.shape_cast %get3A_453 : vector<1x16xf32> to vector<16xf32>
      %add3A_455 = arith.addf %add3A_449, %get3A_454 : vector<16xf32>
      %add3A_456 = arith.addf %scan3A_392#0, %add3A_455 : vector<16xf32>
      %swap3A_457 = arith.constant 103 : i32
      %swap3A_458 = arith.index_cast %swap3A_457 : i32 to index
      %swap3A_459 = arith.constant 0 : index
      %swap3A_460 = tpu.vector_load %arg12[%swap3A_458, %swap3A_459] {strides = array<i32>} : memref<104x128xf32, #tpu.memory_space<vmem>>, vector<1x16xf32>,
      %swap3A_461 = vector.shape_cast %swap3A_460 : vector<1x16xf32> to vector<16xf32>
      %swap3A_462 = vector.shape_cast %add3A_456 : vector<16xf32> to vector<1x16xf32>
      tpu.vector_store %arg12[%swap3A_458, %swap3A_459], %swap3A_462 {strides = array<i32>} : memref<104x128xf32, #tpu.memory_space<vmem>>, vector<1x16xf32>,
      %get3A_463 = arith.constant 104 : i32
      %get3A_464 = arith.index_cast %get3A_463 : i32 to index
      %get3A_465 = arith.constant 16 : index
      %get3A_466 = tpu.vector_load %arg9[%get3A_464, %get3A_465] {strides = array<i32>} : memref<208x128xf32, #tpu.memory_space<vmem>>, vector<1x16xf32>,
      %get3A_467 = vector.shape_cast %get3A_466 : vector<1x16xf32> to vector<16xf32>
      %get3A_468 = arith.constant 104 : i32
      %get3A_469 = arith.index_cast %get3A_468 : i32 to index
      %get3A_470 = arith.constant 16 : index
      %get3A_471 = tpu.vector_load %arg10[%get3A_469, %get3A_470] {strides = array<i32>} : memref<208x128xf32, #tpu.memory_space<vmem>>, vector<1x16xf32>,
      %get3A_472 = vector.shape_cast %get3A_471 : vector<1x16xf32> to vector<16xf32>
      %add3A_473 = arith.addf %get3A_467, %get3A_472 : vector<16xf32>
      %get3A_474 = arith.constant 104 : i32
      %get3A_475 = arith.index_cast %get3A_474 : i32 to index
      %get3A_476 = arith.constant 16 : index
      %get3A_477 = tpu.vector_load %arg11[%get3A_475, %get3A_476] {strides = array<i32>} : memref<208x128xf32, #tpu.memory_space<vmem>>, vector<1x16xf32>,
      %get3A_478 = vector.shape_cast %get3A_477 : vector<1x16xf32> to vector<16xf32>
      %add3A_479 = arith.addf %add3A_473, %get3A_478 : vector<16xf32>
      %add3A_480 = arith.addf %scan3A_392#1, %add3A_479 : vector<16xf32>
      %swap3A_481 = arith.constant 103 : i32
      %swap3A_482 = arith.index_cast %swap3A_481 : i32 to index
      %swap3A_483 = arith.constant 16 : index
      %swap3A_484 = tpu.vector_load %arg12[%swap3A_482, %swap3A_483] {strides = array<i32>} : memref<104x128xf32, #tpu.memory_space<vmem>>, vector<1x16xf32>,
      %swap3A_485 = vector.shape_cast %swap3A_484 : vector<1x16xf32> to vector<16xf32>
      %swap3A_486 = vector.shape_cast %add3A_480 : vector<16xf32> to vector<1x16xf32>
      tpu.vector_store %arg12[%swap3A_482, %swap3A_483], %swap3A_486 {strides = array<i32>} : memref<104x128xf32, #tpu.memory_space<vmem>>, vector<1x16xf32>,
      %get3A_487 = arith.constant 104 : i32
      %get3A_488 = arith.index_cast %get3A_487 : i32 to index
      %get3A_489 = arith.constant 32 : index
      %get3A_490 = tpu.vector_load %arg9[%get3A_488, %get3A_489] {strides = array<i32>} : memref<208x128xf32, #tpu.memory_space<vmem>>, vector<1x16xf32>,
      %get3A_491 = vector.shape_cast %get3A_490 : vector<1x16xf32> to vector<16xf32>
      %get3A_492 = arith.constant 104 : i32
      %get3A_493 = arith.index_cast %get3A_492 : i32 to index
      %get3A_494 = arith.constant 32 : index
      %get3A_495 = tpu.vector_load %arg10[%get3A_493, %get3A_494] {strides = array<i32>} : memref<208x128xf32, #tpu.memory_space<vmem>>, vector<1x16xf32>,
      %get3A_496 = vector.shape_cast %get3A_495 : vector<1x16xf32> to vector<16xf32>
      %add3A_497 = arith.addf %get3A_491, %get3A_496 : vector<16xf32>
      %get3A_498 = arith.constant 104 : i32
      %get3A_499 = arith.index_cast %get3A_498 : i32 to index
      %get3A_500 = arith.constant 32 : index
      %get3A_501 = tpu.vector_load %arg11[%get3A_499, %get3A_500] {strides = array<i32>} : memref<208x128xf32, #tpu.memory_space<vmem>>, vector<1x16xf32>,
      %get3A_502 = vector.shape_cast %get3A_501 : vector<1x16xf32> to vector<16xf32>
      %add3A_503 = arith.addf %add3A_497, %get3A_502 : vector<16xf32>
      %add3A_504 = arith.addf %scan3A_392#2, %add3A_503 : vector<16xf32>
      %swap3A_505 = arith.constant 103 : i32
      %swap3A_506 = arith.index_cast %swap3A_505 : i32 to index
      %swap3A_507 = arith.constant 32 : index
      %swap3A_508 = tpu.vector_load %arg12[%swap3A_506, %swap3A_507] {strides = array<i32>} : memref<104x128xf32, #tpu.memory_space<vmem>>, vector<1x16xf32>,
      %swap3A_509 = vector.shape_cast %swap3A_508 : vector<1x16xf32> to vector<16xf32>
      %swap3A_510 = vector.shape_cast %add3A_504 : vector<16xf32> to vector<1x16xf32>
      tpu.vector_store %arg12[%swap3A_506, %swap3A_507], %swap3A_510 {strides = array<i32>} : memref<104x128xf32, #tpu.memory_space<vmem>>, vector<1x16xf32>,
      %get3A_511 = arith.constant 104 : i32
      %get3A_512 = arith.index_cast %get3A_511 : i32 to index
      %get3A_513 = arith.constant 48 : index
      %get3A_514 = tpu.vector_load %arg9[%get3A_512, %get3A_513] {strides = array<i32>} : memref<208x128xf32, #tpu.memory_space<vmem>>, vector<1x16xf32>,
      %get3A_515 = vector.shape_cast %get3A_514 : vector<1x16xf32> to vector<16xf32>
      %get3A_516 = arith.constant 104 : i32
      %get3A_517 = arith.index_cast %get3A_516 : i32 to index
      %get3A_518 = arith.constant 48 : index
      %get3A_519 = tpu.vector_load %arg10[%get3A_517, %get3A_518] {strides = array<i32>} : memref<208x128xf32, #tpu.memory_space<vmem>>, vector<1x16xf32>,
      %get3A_520 = vector.shape_cast %get3A_519 : vector<1x16xf32> to vector<16xf32>
      %add3A_521 = arith.addf %get3A_515, %get3A_520 : vector<16xf32>
      %get3A_522 = arith.constant 104 : i32
      %get3A_523 = arith.index_cast %get3A_522 : i32 to index
      %get3A_524 = arith.constant 48 : index
      %get3A_525 = tpu.vector_load %arg11[%get3A_523, %get3A_524] {strides = array<i32>} : memref<208x128xf32, #tpu.memory_space<vmem>>, vector<1x16xf32>,
      %get3A_526 = vector.shape_cast %get3A_525 : vector<1x16xf32> to vector<16xf32>
      %add3A_527 = arith.addf %add3A_521, %get3A_526 : vector<16xf32>
      %add3A_528 = arith.addf %scan3A_392#3, %add3A_527 : vector<16xf32>
      %swap3A_529 = arith.constant 103 : i32
      %swap3A_530 = arith.index_cast %swap3A_529 : i32 to index
      %swap3A_531 = arith.constant 48 : index
      %swap3A_532 = tpu.vector_load %arg12[%swap3A_530, %swap3A_531] {strides = array<i32>} : memref<104x128xf32, #tpu.memory_space<vmem>>, vector<1x16xf32>,
      %swap3A_533 = vector.shape_cast %swap3A_532 : vector<1x16xf32> to vector<16xf32>
      %swap3A_534 = vector.shape_cast %add3A_528 : vector<16xf32> to vector<1x16xf32>
      tpu.vector_store %arg12[%swap3A_530, %swap3A_531], %swap3A_534 {strides = array<i32>} : memref<104x128xf32, #tpu.memory_space<vmem>>, vector<1x16xf32>,
      %get3A_535 = arith.constant 104 : i32
      %get3A_536 = arith.index_cast %get3A_535 : i32 to index
      %get3A_537 = arith.constant 64 : index
      %get3A_538 = tpu.vector_load %arg9[%get3A_536, %get3A_537] {strides = array<i32>} : memref<208x128xf32, #tpu.memory_space<vmem>>, vector<1x16xf32>,
      %get3A_539 = vector.shape_cast %get3A_538 : vector<1x16xf32> to vector<16xf32>
      %get3A_540 = arith.constant 104 : i32
      %get3A_541 = arith.index_cast %get3A_540 : i32 to index
      %get3A_542 = arith.constant 64 : index
      %get3A_543 = tpu.vector_load %arg10[%get3A_541, %get3A_542] {strides = array<i32>} : memref<208x128xf32, #tpu.memory_space<vmem>>, vector<1x16xf32>,
      %get3A_544 = vector.shape_cast %get3A_543 : vector<1x16xf32> to vector<16xf32>
      %add3A_545 = arith.addf %get3A_539, %get3A_544 : vector<16xf32>
      %get3A_546 = arith.constant 104 : i32
      %get3A_547 = arith.index_cast %get3A_546 : i32 to index
      %get3A_548 = arith.constant 64 : index
      %get3A_549 = tpu.vector_load %arg11[%get3A_547, %get3A_548] {strides = array<i32>} : memref<208x128xf32, #tpu.memory_space<vmem>>, vector<1x16xf32>,
      %get3A_550 = vector.shape_cast %get3A_549 : vector<1x16xf32> to vector<16xf32>
      %add3A_551 = arith.addf %add3A_545, %get3A_550 : vector<16xf32>
      %add3A_552 = arith.addf %scan3A_392#4, %add3A_551 : vector<16xf32>
      %swap3A_553 = arith.constant 103 : i32
      %swap3A_554 = arith.index_cast %swap3A_553 : i32 to index
      %swap3A_555 = arith.constant 64 : index
      %swap3A_556 = tpu.vector_load %arg12[%swap3A_554, %swap3A_555] {strides = array<i32>} : memref<104x128xf32, #tpu.memory_space<vmem>>, vector<1x16xf32>,
      %swap3A_557 = vector.shape_cast %swap3A_556 : vector<1x16xf32> to vector<16xf32>
      %swap3A_558 = vector.shape_cast %add3A_552 : vector<16xf32> to vector<1x16xf32>
      tpu.vector_store %arg12[%swap3A_554, %swap3A_555], %swap3A_558 {strides = array<i32>} : memref<104x128xf32, #tpu.memory_space<vmem>>, vector<1x16xf32>,
      %get3A_559 = arith.constant 104 : i32
      %get3A_560 = arith.index_cast %get3A_559 : i32 to index
      %get3A_561 = arith.constant 80 : index
      %get3A_562 = tpu.vector_load %arg9[%get3A_560, %get3A_561] {strides = array<i32>} : memref<208x128xf32, #tpu.memory_space<vmem>>, vector<1x16xf32>,
      %get3A_563 = vector.shape_cast %get3A_562 : vector<1x16xf32> to vector<16xf32>
      %get3A_564 = arith.constant 104 : i32
      %get3A_565 = arith.index_cast %get3A_564 : i32 to index
      %get3A_566 = arith.constant 80 : index
      %get3A_567 = tpu.vector_load %arg10[%get3A_565, %get3A_566] {strides = array<i32>} : memref<208x128xf32, #tpu.memory_space<vmem>>, vector<1x16xf32>,
      %get3A_568 = vector.shape_cast %get3A_567 : vector<1x16xf32> to vector<16xf32>
      %add3A_569 = arith.addf %get3A_563, %get3A_568 : vector<16xf32>
      %get3A_570 = arith.constant 104 : i32
      %get3A_571 = arith.index_cast %get3A_570 : i32 to index
      %get3A_572 = arith.constant 80 : index
      %get3A_573 = tpu.vector_load %arg11[%get3A_571, %get3A_572] {strides = array<i32>} : memref<208x128xf32, #tpu.memory_space<vmem>>, vector<1x16xf32>,
      %get3A_574 = vector.shape_cast %get3A_573 : vector<1x16xf32> to vector<16xf32>
      %add3A_575 = arith.addf %add3A_569, %get3A_574 : vector<16xf32>
      %add3A_576 = arith.addf %scan3A_392#5, %add3A_575 : vector<16xf32>
      %swap3A_577 = arith.constant 103 : i32
      %swap3A_578 = arith.index_cast %swap3A_577 : i32 to index
      %swap3A_579 = arith.constant 80 : index
      %swap3A_580 = tpu.vector_load %arg12[%swap3A_578, %swap3A_579] {strides = array<i32>} : memref<104x128xf32, #tpu.memory_space<vmem>>, vector<1x16xf32>,
      %swap3A_581 = vector.shape_cast %swap3A_580 : vector<1x16xf32> to vector<16xf32>
      %swap3A_582 = vector.shape_cast %add3A_576 : vector<16xf32> to vector<1x16xf32>
      tpu.vector_store %arg12[%swap3A_578, %swap3A_579], %swap3A_582 {strides = array<i32>} : memref<104x128xf32, #tpu.memory_space<vmem>>, vector<1x16xf32>,
      %get3A_583 = arith.constant 104 : i32
      %get3A_584 = arith.index_cast %get3A_583 : i32 to index
      %get3A_585 = arith.constant 96 : index
      %get3A_586 = tpu.vector_load %arg9[%get3A_584, %get3A_585] {strides = array<i32>} : memref<208x128xf32, #tpu.memory_space<vmem>>, vector<1x16xf32>,
      %get3A_587 = vector.shape_cast %get3A_586 : vector<1x16xf32> to vector<16xf32>
      %get3A_588 = arith.constant 104 : i32
      %get3A_589 = arith.index_cast %get3A_588 : i32 to index
      %get3A_590 = arith.constant 96 : index
      %get3A_591 = tpu.vector_load %arg10[%get3A_589, %get3A_590] {strides = array<i32>} : memref<208x128xf32, #tpu.memory_space<vmem>>, vector<1x16xf32>,
      %get3A_592 = vector.shape_cast %get3A_591 : vector<1x16xf32> to vector<16xf32>
      %add3A_593 = arith.addf %get3A_587, %get3A_592 : vector<16xf32>
      %get3A_594 = arith.constant 104 : i32
      %get3A_595 = arith.index_cast %get3A_594 : i32 to index
      %get3A_596 = arith.constant 96 : index
      %get3A_597 = tpu.vector_load %arg11[%get3A_595, %get3A_596] {strides = array<i32>} : memref<208x128xf32, #tpu.memory_space<vmem>>, vector<1x16xf32>,
      %get3A_598 = vector.shape_cast %get3A_597 : vector<1x16xf32> to vector<16xf32>
      %add3A_599 = arith.addf %add3A_593, %get3A_598 : vector<16xf32>
      %add3A_600 = arith.addf %scan3A_392#6, %add3A_599 : vector<16xf32>
      %swap3A_601 = arith.constant 103 : i32
      %swap3A_602 = arith.index_cast %swap3A_601 : i32 to index
      %swap3A_603 = arith.constant 96 : index
      %swap3A_604 = tpu.vector_load %arg12[%swap3A_602, %swap3A_603] {strides = array<i32>} : memref<104x128xf32, #tpu.memory_space<vmem>>, vector<1x16xf32>,
      %swap3A_605 = vector.shape_cast %swap3A_604 : vector<1x16xf32> to vector<16xf32>
      %swap3A_606 = vector.shape_cast %add3A_600 : vector<16xf32> to vector<1x16xf32>
      tpu.vector_store %arg12[%swap3A_602, %swap3A_603], %swap3A_606 {strides = array<i32>} : memref<104x128xf32, #tpu.memory_space<vmem>>, vector<1x16xf32>,
      %get3A_607 = arith.constant 104 : i32
      %get3A_608 = arith.index_cast %get3A_607 : i32 to index
      %get3A_609 = arith.constant 112 : index
      %get3A_610 = tpu.vector_load %arg9[%get3A_608, %get3A_609] {strides = array<i32>} : memref<208x128xf32, #tpu.memory_space<vmem>>, vector<1x16xf32>,
      %get3A_611 = vector.shape_cast %get3A_610 : vector<1x16xf32> to vector<16xf32>
      %get3A_612 = arith.constant 104 : i32
      %get3A_613 = arith.index_cast %get3A_612 : i32 to index
      %get3A_614 = arith.constant 112 : index
      %get3A_615 = tpu.vector_load %arg10[%get3A_613, %get3A_614] {strides = array<i32>} : memref<208x128xf32, #tpu.memory_space<vmem>>, vector<1x16xf32>,
      %get3A_616 = vector.shape_cast %get3A_615 : vector<1x16xf32> to vector<16xf32>
      %add3A_617 = arith.addf %get3A_611, %get3A_616 : vector<16xf32>
      %get3A_618 = arith.constant 104 : i32
      %get3A_619 = arith.index_cast %get3A_618 : i32 to index
      %get3A_620 = arith.constant 112 : index
      %get3A_621 = tpu.vector_load %arg11[%get3A_619, %get3A_620] {strides = array<i32>} : memref<208x128xf32, #tpu.memory_space<vmem>>, vector<1x16xf32>,
      %get3A_622 = vector.shape_cast %get3A_621 : vector<1x16xf32> to vector<16xf32>
      %add3A_623 = arith.addf %add3A_617, %get3A_622 : vector<16xf32>
      %add3A_624 = arith.addf %scan3A_392#7, %add3A_623 : vector<16xf32>
      %swap3A_625 = arith.constant 103 : i32
      %swap3A_626 = arith.index_cast %swap3A_625 : i32 to index
      %swap3A_627 = arith.constant 112 : index
      %swap3A_628 = tpu.vector_load %arg12[%swap3A_626, %swap3A_627] {strides = array<i32>} : memref<104x128xf32, #tpu.memory_space<vmem>>, vector<1x16xf32>,
      %swap3A_629 = vector.shape_cast %swap3A_628 : vector<1x16xf32> to vector<16xf32>
      %swap3A_630 = vector.shape_cast %add3A_624 : vector<16xf32> to vector<1x16xf32>
      tpu.vector_store %arg12[%swap3A_626, %swap3A_627], %swap3A_630 {strides = array<i32>} : memref<104x128xf32, #tpu.memory_space<vmem>>, vector<1x16xf32>,
      %dma_start3A_631 = arith.constant 0 : i32
      %dma_start3A_632 = arith.constant 0 : i32
      %dma_start3A_633 = tpu.memref_slice %arg7[%add3A_214, %dma_start3A_631, %dma_start3A_632] : memref<1024x200x128xf32, #tpu.memory_space<hbm>> -> memref<1x104x128xf32, #tpu.memory_space<hbm>>
      %dma_start3A_634 = tpu.memref_squeeze %dma_start3A_633 : memref<1x104x128xf32, #tpu.memory_space<hbm>> -> memref<104x128xf32, #tpu.memory_space<hbm>>
      %dma_start3A_635 = arith.constant 0 : i32
      %dma_start3A_636 = arith.constant 0 : i32
      %dma_start3A_637 = tpu.memref_slice %arg7[%add3A_214, %dma_start3A_635, %dma_start3A_636] : memref<1024x200x128xf32, #tpu.memory_space<hbm>> -> memref<1x104x128xf32, #tpu.memory_space<hbm>>
      %dma_start3A_638 = tpu.memref_squeeze %dma_start3A_637 : memref<1x104x128xf32, #tpu.memory_space<hbm>> -> memref<104x128xf32, #tpu.memory_space<hbm>>
      tpu.enqueue_dma source(%arg12 : memref<104x128xf32, #tpu.memory_space<vmem>>) target(%dma_start3A_638 : memref<104x128xf32, #tpu.memory_space<hbm>>) target_semaphore(%arg17 : memref<!tpu.dma_semaphore, #tpu.memory_space<semaphore_mem>>)
      %gt3A_639 = arith.constant 0 : i32
      %gt3A_640 = arith.cmpi sgt, %scan3A_210, %gt3A_639 : i32
      %convert_element_type3A_641 = arith.extui %gt3A_640 : i1 to i32
      %cond3A_642 = arith.constant 0 : i32
      %cond3A_643 = arith.cmpi ne, %convert_element_type3A_641, %cond3A_642 : i32
      scf.if %cond3A_643 {
        %sub3A = arith.constant 32 : i32
        %sub3A_664 = arith.subi %add3A_214, %sub3A : i32
        %dma_wait3A_665 = arith.constant 104 : i32
        %dma_wait3A_666 = arith.constant 0 : i32
        %dma_wait3A_667 = tpu.memref_slice %arg7[%sub3A_664, %dma_wait3A_665, %dma_wait3A_666] : memref<1024x200x128xf32, #tpu.memory_space<hbm>> -> memref<1x96x128xf32, #tpu.memory_space<hbm>>
        %dma_wait3A_668 = tpu.memref_squeeze %dma_wait3A_667 : memref<1x96x128xf32, #tpu.memory_space<hbm>> -> memref<96x128xf32, #tpu.memory_space<hbm>>
        %dma_wait3A_669 = arith.constant 104 : i32
        %dma_wait3A_670 = arith.constant 0 : i32
        %dma_wait3A_671 = tpu.memref_slice %arg7[%sub3A_664, %dma_wait3A_669, %dma_wait3A_670] : memref<1024x200x128xf32, #tpu.memory_space<hbm>> -> memref<1x96x128xf32, #tpu.memory_space<hbm>>
        %dma_wait3A_672 = tpu.memref_squeeze %dma_wait3A_671 : memref<1x96x128xf32, #tpu.memory_space<hbm>> -> memref<96x128xf32, #tpu.memory_space<hbm>>
        tpu.wait_dma2 semaphore(%arg18 : memref<!tpu.dma_semaphore, #tpu.memory_space<semaphore_mem>>) src(%arg13 : memref<96x128xf32, #tpu.memory_space<vmem>>) dst(%dma_wait3A_672 : memref<96x128xf32, #tpu.memory_space<hbm>>)
      } else {
      }
      %scan3A_644 = arith.constant 104 : i32
      %scan3A_645 = arith.constant 96 : i32
      %scan3A_646 = arith.addi %scan3A_644, %scan3A_645 : i32
      %scan3A_647 = arith.constant 1 : i32
      %scan3A_648:8 = scf.for %scan3A_664 = %scan3A_644 to %scan3A_646 step %scan3A_647 iter_args(%scan3A_665 = %add3A_455, %scan3A_666 = %add3A_479, %scan3A_667 = %add3A_503, %scan3A_668 = %add3A_527, %scan3A_669 = %add3A_551, %scan3A_670 = %add3A_575, %scan3A_671 = %add3A_599, %scan3A_672 = %add3A_623) -> (vector<16xf32>, vector<16xf32>, vector<16xf32>, vector<16xf32>, vector<16xf32>, vector<16xf32>, vector<16xf32>, vector<16xf32>)  : i32 {
        %add3A_673 = arith.constant 1 : i32
        %add3A_674 = arith.addi %scan3A_664, %add3A_673 : i32
        %get3A_675 = arith.index_cast %add3A_674 : i32 to index
        %get3A_676 = arith.constant 0 : index
        %get3A_677 = tpu.vector_load %arg9[%get3A_675, %get3A_676] {strides = array<i32>} : memref<208x128xf32, #tpu.memory_space<vmem>>, vector<1x16xf32>,
        %get3A_678 = vector.shape_cast %get3A_677 : vector<1x16xf32> to vector<16xf32>
        %add3A_679 = arith.constant 1 : i32
        %add3A_680 = arith.addi %scan3A_664, %add3A_679 : i32
        %get3A_681 = arith.index_cast %add3A_680 : i32 to index
        %get3A_682 = arith.constant 0 : index
        %get3A_683 = tpu.vector_load %arg10[%get3A_681, %get3A_682] {strides = array<i32>} : memref<208x128xf32, #tpu.memory_space<vmem>>, vector<1x16xf32>,
        %get3A_684 = vector.shape_cast %get3A_683 : vector<1x16xf32> to vector<16xf32>
        %add3A_685 = arith.addf %get3A_678, %get3A_684 : vector<16xf32>
        %add3A_686 = arith.constant 1 : i32
        %add3A_687 = arith.addi %scan3A_664, %add3A_686 : i32
        %get3A_688 = arith.index_cast %add3A_687 : i32 to index
        %get3A_689 = arith.constant 0 : index
        %get3A_690 = tpu.vector_load %arg11[%get3A_688, %get3A_689] {strides = array<i32>} : memref<208x128xf32, #tpu.memory_space<vmem>>, vector<1x16xf32>,
        %get3A_691 = vector.shape_cast %get3A_690 : vector<1x16xf32> to vector<16xf32>
        %add3A_692 = arith.addf %add3A_685, %get3A_691 : vector<16xf32>
        %add3A_693 = arith.addf %scan3A_665, %add3A_692 : vector<16xf32>
        %sub3A = arith.constant 104 : i32
        %sub3A_694 = arith.subi %scan3A_664, %sub3A : i32
        %swap3A_695 = arith.index_cast %sub3A_694 : i32 to index
        %swap3A_696 = arith.constant 0 : index
        %swap3A_697 = tpu.vector_load %arg13[%swap3A_695, %swap3A_696] {strides = array<i32>} : memref<96x128xf32, #tpu.memory_space<vmem>>, vector<1x16xf32>,
        %swap3A_698 = vector.shape_cast %swap3A_697 : vector<1x16xf32> to vector<16xf32>
        %swap3A_699 = vector.shape_cast %add3A_693 : vector<16xf32> to vector<1x16xf32>
        tpu.vector_store %arg13[%swap3A_695, %swap3A_696], %swap3A_699 {strides = array<i32>} : memref<96x128xf32, #tpu.memory_space<vmem>>, vector<1x16xf32>,
        %add3A_700 = arith.constant 1 : i32
        %add3A_701 = arith.addi %scan3A_664, %add3A_700 : i32
        %get3A_702 = arith.index_cast %add3A_701 : i32 to index
        %get3A_703 = arith.constant 16 : index
        %get3A_704 = tpu.vector_load %arg9[%get3A_702, %get3A_703] {strides = array<i32>} : memref<208x128xf32, #tpu.memory_space<vmem>>, vector<1x16xf32>,
        %get3A_705 = vector.shape_cast %get3A_704 : vector<1x16xf32> to vector<16xf32>
        %add3A_706 = arith.constant 1 : i32
        %add3A_707 = arith.addi %scan3A_664, %add3A_706 : i32
        %get3A_708 = arith.index_cast %add3A_707 : i32 to index
        %get3A_709 = arith.constant 16 : index
        %get3A_710 = tpu.vector_load %arg10[%get3A_708, %get3A_709] {strides = array<i32>} : memref<208x128xf32, #tpu.memory_space<vmem>>, vector<1x16xf32>,
        %get3A_711 = vector.shape_cast %get3A_710 : vector<1x16xf32> to vector<16xf32>
        %add3A_712 = arith.addf %get3A_705, %get3A_711 : vector<16xf32>
        %add3A_713 = arith.constant 1 : i32
        %add3A_714 = arith.addi %scan3A_664, %add3A_713 : i32
        %get3A_715 = arith.index_cast %add3A_714 : i32 to index
        %get3A_716 = arith.constant 16 : index
        %get3A_717 = tpu.vector_load %arg11[%get3A_715, %get3A_716] {strides = array<i32>} : memref<208x128xf32, #tpu.memory_space<vmem>>, vector<1x16xf32>,
        %get3A_718 = vector.shape_cast %get3A_717 : vector<1x16xf32> to vector<16xf32>
        %add3A_719 = arith.addf %add3A_712, %get3A_718 : vector<16xf32>
        %add3A_720 = arith.addf %scan3A_666, %add3A_719 : vector<16xf32>
        %sub3A_721 = arith.constant 104 : i32
        %sub3A_722 = arith.subi %scan3A_664, %sub3A_721 : i32
        %swap3A_723 = arith.index_cast %sub3A_722 : i32 to index
        %swap3A_724 = arith.constant 16 : index
        %swap3A_725 = tpu.vector_load %arg13[%swap3A_723, %swap3A_724] {strides = array<i32>} : memref<96x128xf32, #tpu.memory_space<vmem>>, vector<1x16xf32>,
        %swap3A_726 = vector.shape_cast %swap3A_725 : vector<1x16xf32> to vector<16xf32>
        %swap3A_727 = vector.shape_cast %add3A_720 : vector<16xf32> to vector<1x16xf32>
        tpu.vector_store %arg13[%swap3A_723, %swap3A_724], %swap3A_727 {strides = array<i32>} : memref<96x128xf32, #tpu.memory_space<vmem>>, vector<1x16xf32>,
        %add3A_728 = arith.constant 1 : i32
        %add3A_729 = arith.addi %scan3A_664, %add3A_728 : i32
        %get3A_730 = arith.index_cast %add3A_729 : i32 to index
        %get3A_731 = arith.constant 32 : index
        %get3A_732 = tpu.vector_load %arg9[%get3A_730, %get3A_731] {strides = array<i32>} : memref<208x128xf32, #tpu.memory_space<vmem>>, vector<1x16xf32>,
        %get3A_733 = vector.shape_cast %get3A_732 : vector<1x16xf32> to vector<16xf32>
        %add3A_734 = arith.constant 1 : i32
        %add3A_735 = arith.addi %scan3A_664, %add3A_734 : i32
        %get3A_736 = arith.index_cast %add3A_735 : i32 to index
        %get3A_737 = arith.constant 32 : index
        %get3A_738 = tpu.vector_load %arg10[%get3A_736, %get3A_737] {strides = array<i32>} : memref<208x128xf32, #tpu.memory_space<vmem>>, vector<1x16xf32>,
        %get3A_739 = vector.shape_cast %get3A_738 : vector<1x16xf32> to vector<16xf32>
        %add3A_740 = arith.addf %get3A_733, %get3A_739 : vector<16xf32>
        %add3A_741 = arith.constant 1 : i32
        %add3A_742 = arith.addi %scan3A_664, %add3A_741 : i32
        %get3A_743 = arith.index_cast %add3A_742 : i32 to index
        %get3A_744 = arith.constant 32 : index
        %get3A_745 = tpu.vector_load %arg11[%get3A_743, %get3A_744] {strides = array<i32>} : memref<208x128xf32, #tpu.memory_space<vmem>>, vector<1x16xf32>,
        %get3A_746 = vector.shape_cast %get3A_745 : vector<1x16xf32> to vector<16xf32>
        %add3A_747 = arith.addf %add3A_740, %get3A_746 : vector<16xf32>
        %add3A_748 = arith.addf %scan3A_667, %add3A_747 : vector<16xf32>
        %sub3A_749 = arith.constant 104 : i32
        %sub3A_750 = arith.subi %scan3A_664, %sub3A_749 : i32
        %swap3A_751 = arith.index_cast %sub3A_750 : i32 to index
        %swap3A_752 = arith.constant 32 : index
        %swap3A_753 = tpu.vector_load %arg13[%swap3A_751, %swap3A_752] {strides = array<i32>} : memref<96x128xf32, #tpu.memory_space<vmem>>, vector<1x16xf32>,
        %swap3A_754 = vector.shape_cast %swap3A_753 : vector<1x16xf32> to vector<16xf32>
        %swap3A_755 = vector.shape_cast %add3A_748 : vector<16xf32> to vector<1x16xf32>
        tpu.vector_store %arg13[%swap3A_751, %swap3A_752], %swap3A_755 {strides = array<i32>} : memref<96x128xf32, #tpu.memory_space<vmem>>, vector<1x16xf32>,
        %add3A_756 = arith.constant 1 : i32
        %add3A_757 = arith.addi %scan3A_664, %add3A_756 : i32
        %get3A_758 = arith.index_cast %add3A_757 : i32 to index
        %get3A_759 = arith.constant 48 : index
        %get3A_760 = tpu.vector_load %arg9[%get3A_758, %get3A_759] {strides = array<i32>} : memref<208x128xf32, #tpu.memory_space<vmem>>, vector<1x16xf32>,
        %get3A_761 = vector.shape_cast %get3A_760 : vector<1x16xf32> to vector<16xf32>
        %add3A_762 = arith.constant 1 : i32
        %add3A_763 = arith.addi %scan3A_664, %add3A_762 : i32
        %get3A_764 = arith.index_cast %add3A_763 : i32 to index
        %get3A_765 = arith.constant 48 : index
        %get3A_766 = tpu.vector_load %arg10[%get3A_764, %get3A_765] {strides = array<i32>} : memref<208x128xf32, #tpu.memory_space<vmem>>, vector<1x16xf32>,
        %get3A_767 = vector.shape_cast %get3A_766 : vector<1x16xf32> to vector<16xf32>
        %add3A_768 = arith.addf %get3A_761, %get3A_767 : vector<16xf32>
        %add3A_769 = arith.constant 1 : i32
        %add3A_770 = arith.addi %scan3A_664, %add3A_769 : i32
        %get3A_771 = arith.index_cast %add3A_770 : i32 to index
        %get3A_772 = arith.constant 48 : index
        %get3A_773 = tpu.vector_load %arg11[%get3A_771, %get3A_772] {strides = array<i32>} : memref<208x128xf32, #tpu.memory_space<vmem>>, vector<1x16xf32>,
        %get3A_774 = vector.shape_cast %get3A_773 : vector<1x16xf32> to vector<16xf32>
        %add3A_775 = arith.addf %add3A_768, %get3A_774 : vector<16xf32>
        %add3A_776 = arith.addf %scan3A_668, %add3A_775 : vector<16xf32>
        %sub3A_777 = arith.constant 104 : i32
        %sub3A_778 = arith.subi %scan3A_664, %sub3A_777 : i32
        %swap3A_779 = arith.index_cast %sub3A_778 : i32 to index
        %swap3A_780 = arith.constant 48 : index
        %swap3A_781 = tpu.vector_load %arg13[%swap3A_779, %swap3A_780] {strides = array<i32>} : memref<96x128xf32, #tpu.memory_space<vmem>>, vector<1x16xf32>,
        %swap3A_782 = vector.shape_cast %swap3A_781 : vector<1x16xf32> to vector<16xf32>
        %swap3A_783 = vector.shape_cast %add3A_776 : vector<16xf32> to vector<1x16xf32>
        tpu.vector_store %arg13[%swap3A_779, %swap3A_780], %swap3A_783 {strides = array<i32>} : memref<96x128xf32, #tpu.memory_space<vmem>>, vector<1x16xf32>,
        %add3A_784 = arith.constant 1 : i32
        %add3A_785 = arith.addi %scan3A_664, %add3A_784 : i32
        %get3A_786 = arith.index_cast %add3A_785 : i32 to index
        %get3A_787 = arith.constant 64 : index
        %get3A_788 = tpu.vector_load %arg9[%get3A_786, %get3A_787] {strides = array<i32>} : memref<208x128xf32, #tpu.memory_space<vmem>>, vector<1x16xf32>,
        %get3A_789 = vector.shape_cast %get3A_788 : vector<1x16xf32> to vector<16xf32>
        %add3A_790 = arith.constant 1 : i32
        %add3A_791 = arith.addi %scan3A_664, %add3A_790 : i32
        %get3A_792 = arith.index_cast %add3A_791 : i32 to index
        %get3A_793 = arith.constant 64 : index
        %get3A_794 = tpu.vector_load %arg10[%get3A_792, %get3A_793] {strides = array<i32>} : memref<208x128xf32, #tpu.memory_space<vmem>>, vector<1x16xf32>,
        %get3A_795 = vector.shape_cast %get3A_794 : vector<1x16xf32> to vector<16xf32>
        %add3A_796 = arith.addf %get3A_789, %get3A_795 : vector<16xf32>
        %add3A_797 = arith.constant 1 : i32
        %add3A_798 = arith.addi %scan3A_664, %add3A_797 : i32
        %get3A_799 = arith.index_cast %add3A_798 : i32 to index
        %get3A_800 = arith.constant 64 : index
        %get3A_801 = tpu.vector_load %arg11[%get3A_799, %get3A_800] {strides = array<i32>} : memref<208x128xf32, #tpu.memory_space<vmem>>, vector<1x16xf32>,
        %get3A_802 = vector.shape_cast %get3A_801 : vector<1x16xf32> to vector<16xf32>
        %add3A_803 = arith.addf %add3A_796, %get3A_802 : vector<16xf32>
        %add3A_804 = arith.addf %scan3A_669, %add3A_803 : vector<16xf32>
        %sub3A_805 = arith.constant 104 : i32
        %sub3A_806 = arith.subi %scan3A_664, %sub3A_805 : i32
        %swap3A_807 = arith.index_cast %sub3A_806 : i32 to index
        %swap3A_808 = arith.constant 64 : index
        %swap3A_809 = tpu.vector_load %arg13[%swap3A_807, %swap3A_808] {strides = array<i32>} : memref<96x128xf32, #tpu.memory_space<vmem>>, vector<1x16xf32>,
        %swap3A_810 = vector.shape_cast %swap3A_809 : vector<1x16xf32> to vector<16xf32>
        %swap3A_811 = vector.shape_cast %add3A_804 : vector<16xf32> to vector<1x16xf32>
        tpu.vector_store %arg13[%swap3A_807, %swap3A_808], %swap3A_811 {strides = array<i32>} : memref<96x128xf32, #tpu.memory_space<vmem>>, vector<1x16xf32>,
        %add3A_812 = arith.constant 1 : i32
        %add3A_813 = arith.addi %scan3A_664, %add3A_812 : i32
        %get3A_814 = arith.index_cast %add3A_813 : i32 to index
        %get3A_815 = arith.constant 80 : index
        %get3A_816 = tpu.vector_load %arg9[%get3A_814, %get3A_815] {strides = array<i32>} : memref<208x128xf32, #tpu.memory_space<vmem>>, vector<1x16xf32>,
        %get3A_817 = vector.shape_cast %get3A_816 : vector<1x16xf32> to vector<16xf32>
        %add3A_818 = arith.constant 1 : i32
        %add3A_819 = arith.addi %scan3A_664, %add3A_818 : i32
        %get3A_820 = arith.index_cast %add3A_819 : i32 to index
        %get3A_821 = arith.constant 80 : index
        %get3A_822 = tpu.vector_load %arg10[%get3A_820, %get3A_821] {strides = array<i32>} : memref<208x128xf32, #tpu.memory_space<vmem>>, vector<1x16xf32>,
        %get3A_823 = vector.shape_cast %get3A_822 : vector<1x16xf32> to vector<16xf32>
        %add3A_824 = arith.addf %get3A_817, %get3A_823 : vector<16xf32>
        %add3A_825 = arith.constant 1 : i32
        %add3A_826 = arith.addi %scan3A_664, %add3A_825 : i32
        %get3A_827 = arith.index_cast %add3A_826 : i32 to index
        %get3A_828 = arith.constant 80 : index
        %get3A_829 = tpu.vector_load %arg11[%get3A_827, %get3A_828] {strides = array<i32>} : memref<208x128xf32, #tpu.memory_space<vmem>>, vector<1x16xf32>,
        %get3A_830 = vector.shape_cast %get3A_829 : vector<1x16xf32> to vector<16xf32>
        %add3A_831 = arith.addf %add3A_824, %get3A_830 : vector<16xf32>
        %add3A_832 = arith.addf %scan3A_670, %add3A_831 : vector<16xf32>
        %sub3A_833 = arith.constant 104 : i32
        %sub3A_834 = arith.subi %scan3A_664, %sub3A_833 : i32
        %swap3A_835 = arith.index_cast %sub3A_834 : i32 to index
        %swap3A_836 = arith.constant 80 : index
        %swap3A_837 = tpu.vector_load %arg13[%swap3A_835, %swap3A_836] {strides = array<i32>} : memref<96x128xf32, #tpu.memory_space<vmem>>, vector<1x16xf32>,
        %swap3A_838 = vector.shape_cast %swap3A_837 : vector<1x16xf32> to vector<16xf32>
        %swap3A_839 = vector.shape_cast %add3A_832 : vector<16xf32> to vector<1x16xf32>
        tpu.vector_store %arg13[%swap3A_835, %swap3A_836], %swap3A_839 {strides = array<i32>} : memref<96x128xf32, #tpu.memory_space<vmem>>, vector<1x16xf32>,
        %add3A_840 = arith.constant 1 : i32
        %add3A_841 = arith.addi %scan3A_664, %add3A_840 : i32
        %get3A_842 = arith.index_cast %add3A_841 : i32 to index
        %get3A_843 = arith.constant 96 : index
        %get3A_844 = tpu.vector_load %arg9[%get3A_842, %get3A_843] {strides = array<i32>} : memref<208x128xf32, #tpu.memory_space<vmem>>, vector<1x16xf32>,
        %get3A_845 = vector.shape_cast %get3A_844 : vector<1x16xf32> to vector<16xf32>
        %add3A_846 = arith.constant 1 : i32
        %add3A_847 = arith.addi %scan3A_664, %add3A_846 : i32
        %get3A_848 = arith.index_cast %add3A_847 : i32 to index
        %get3A_849 = arith.constant 96 : index
        %get3A_850 = tpu.vector_load %arg10[%get3A_848, %get3A_849] {strides = array<i32>} : memref<208x128xf32, #tpu.memory_space<vmem>>, vector<1x16xf32>,
        %get3A_851 = vector.shape_cast %get3A_850 : vector<1x16xf32> to vector<16xf32>
        %add3A_852 = arith.addf %get3A_845, %get3A_851 : vector<16xf32>
        %add3A_853 = arith.constant 1 : i32
        %add3A_854 = arith.addi %scan3A_664, %add3A_853 : i32
        %get3A_855 = arith.index_cast %add3A_854 : i32 to index
        %get3A_856 = arith.constant 96 : index
        %get3A_857 = tpu.vector_load %arg11[%get3A_855, %get3A_856] {strides = array<i32>} : memref<208x128xf32, #tpu.memory_space<vmem>>, vector<1x16xf32>,
        %get3A_858 = vector.shape_cast %get3A_857 : vector<1x16xf32> to vector<16xf32>
        %add3A_859 = arith.addf %add3A_852, %get3A_858 : vector<16xf32>
        %add3A_860 = arith.addf %scan3A_671, %add3A_859 : vector<16xf32>
        %sub3A_861 = arith.constant 104 : i32
        %sub3A_862 = arith.subi %scan3A_664, %sub3A_861 : i32
        %swap3A_863 = arith.index_cast %sub3A_862 : i32 to index
        %swap3A_864 = arith.constant 96 : index
        %swap3A_865 = tpu.vector_load %arg13[%swap3A_863, %swap3A_864] {strides = array<i32>} : memref<96x128xf32, #tpu.memory_space<vmem>>, vector<1x16xf32>,
        %swap3A_866 = vector.shape_cast %swap3A_865 : vector<1x16xf32> to vector<16xf32>
        %swap3A_867 = vector.shape_cast %add3A_860 : vector<16xf32> to vector<1x16xf32>
        tpu.vector_store %arg13[%swap3A_863, %swap3A_864], %swap3A_867 {strides = array<i32>} : memref<96x128xf32, #tpu.memory_space<vmem>>, vector<1x16xf32>,
        %add3A_868 = arith.constant 1 : i32
        %add3A_869 = arith.addi %scan3A_664, %add3A_868 : i32
        %get3A_870 = arith.index_cast %add3A_869 : i32 to index
        %get3A_871 = arith.constant 112 : index
        %get3A_872 = tpu.vector_load %arg9[%get3A_870, %get3A_871] {strides = array<i32>} : memref<208x128xf32, #tpu.memory_space<vmem>>, vector<1x16xf32>,
        %get3A_873 = vector.shape_cast %get3A_872 : vector<1x16xf32> to vector<16xf32>
        %add3A_874 = arith.constant 1 : i32
        %add3A_875 = arith.addi %scan3A_664, %add3A_874 : i32
        %get3A_876 = arith.index_cast %add3A_875 : i32 to index
        %get3A_877 = arith.constant 112 : index
        %get3A_878 = tpu.vector_load %arg10[%get3A_876, %get3A_877] {strides = array<i32>} : memref<208x128xf32, #tpu.memory_space<vmem>>, vector<1x16xf32>,
        %get3A_879 = vector.shape_cast %get3A_878 : vector<1x16xf32> to vector<16xf32>
        %add3A_880 = arith.addf %get3A_873, %get3A_879 : vector<16xf32>
        %add3A_881 = arith.constant 1 : i32
        %add3A_882 = arith.addi %scan3A_664, %add3A_881 : i32
        %get3A_883 = arith.index_cast %add3A_882 : i32 to index
        %get3A_884 = arith.constant 112 : index
        %get3A_885 = tpu.vector_load %arg11[%get3A_883, %get3A_884] {strides = array<i32>} : memref<208x128xf32, #tpu.memory_space<vmem>>, vector<1x16xf32>,
        %get3A_886 = vector.shape_cast %get3A_885 : vector<1x16xf32> to vector<16xf32>
        %add3A_887 = arith.addf %add3A_880, %get3A_886 : vector<16xf32>
        %add3A_888 = arith.addf %scan3A_672, %add3A_887 : vector<16xf32>
        %sub3A_889 = arith.constant 104 : i32
        %sub3A_890 = arith.subi %scan3A_664, %sub3A_889 : i32
        %swap3A_891 = arith.index_cast %sub3A_890 : i32 to index
        %swap3A_892 = arith.constant 112 : index
        %swap3A_893 = tpu.vector_load %arg13[%swap3A_891, %swap3A_892] {strides = array<i32>} : memref<96x128xf32, #tpu.memory_space<vmem>>, vector<1x16xf32>,
        %swap3A_894 = vector.shape_cast %swap3A_893 : vector<1x16xf32> to vector<16xf32>
        %swap3A_895 = vector.shape_cast %add3A_888 : vector<16xf32> to vector<1x16xf32>
        tpu.vector_store %arg13[%swap3A_891, %swap3A_892], %swap3A_895 {strides = array<i32>} : memref<96x128xf32, #tpu.memory_space<vmem>>, vector<1x16xf32>,
        scf.yield %add3A_692, %add3A_719, %add3A_747, %add3A_775, %add3A_803, %add3A_831, %add3A_859, %add3A_887 : vector<16xf32>, vector<16xf32>, vector<16xf32>, vector<16xf32>, vector<16xf32>, vector<16xf32>, vector<16xf32>, vector<16xf32>
      }
      %scan3A_649 = arith.constant 96 : i32
      %dma_start3A_650 = arith.constant 104 : i32
      %dma_start3A_651 = arith.constant 0 : i32
      %dma_start3A_652 = tpu.memref_slice %arg7[%add3A_214, %dma_start3A_650, %dma_start3A_651] : memref<1024x200x128xf32, #tpu.memory_space<hbm>> -> memref<1x96x128xf32, #tpu.memory_space<hbm>>
      %dma_start3A_653 = tpu.memref_squeeze %dma_start3A_652 : memref<1x96x128xf32, #tpu.memory_space<hbm>> -> memref<96x128xf32, #tpu.memory_space<hbm>>
      %dma_start3A_654 = arith.constant 104 : i32
      %dma_start3A_655 = arith.constant 0 : i32
      %dma_start3A_656 = tpu.memref_slice %arg7[%add3A_214, %dma_start3A_654, %dma_start3A_655] : memref<1024x200x128xf32, #tpu.memory_space<hbm>> -> memref<1x96x128xf32, #tpu.memory_space<hbm>>
      %dma_start3A_657 = tpu.memref_squeeze %dma_start3A_656 : memref<1x96x128xf32, #tpu.memory_space<hbm>> -> memref<96x128xf32, #tpu.memory_space<hbm>>
      tpu.enqueue_dma source(%arg13 : memref<96x128xf32, #tpu.memory_space<vmem>>) target(%dma_start3A_657 : memref<96x128xf32, #tpu.memory_space<hbm>>) target_semaphore(%arg18 : memref<!tpu.dma_semaphore, #tpu.memory_space<semaphore_mem>>)
      %lt3A_658 = arith.constant 31 : i32
      %lt3A_659 = arith.cmpi slt, %scan3A_210, %lt3A_658 : i32
      %convert_element_type3A_660 = arith.extui %lt3A_659 : i1 to i32
      %cond3A_661 = arith.constant 0 : i32
      %cond3A_662 = arith.cmpi ne, %convert_element_type3A_660, %cond3A_661 : i32
      scf.if %cond3A_662 {
        %add3A_664 = arith.constant 1 : i32
        %add3A_665 = arith.addi %scan3A_210, %add3A_664 : i32
        %jit3A = arith.constant 2 : i32
        %eq3A = arith.constant 0 : i32
        %eq3A_666 = arith.cmpi eq, %jit3A, %eq3A : i32
        %jit3A_667 = arith.constant 1 : i32
        %select_n3A = arith.select %eq3A_666, %jit3A_667, %jit3A : i32
        %rem3A = arith.remsi %add3A_665, %select_n3A : i32
        %ne3A = arith.constant 0 : i32
        %ne3A_668 = arith.cmpi ne, %rem3A, %ne3A : i32
        %lt3A_669 = arith.constant 0 : i32
        %lt3A_670 = arith.cmpi slt, %rem3A, %lt3A_669 : i32
        %lt3A_671 = arith.constant 0 : i32
        %lt3A_672 = arith.cmpi slt, %select_n3A, %lt3A_671 : i32
        %ne3A_673 = arith.xori %lt3A_670, %lt3A_672 : i1
        %and3A = arith.andi %ne3A_673, %ne3A_668 : i1
        %add3A_674 = arith.addi %rem3A, %select_n3A : i32
        %select_n3A_675 = arith.select %and3A, %add3A_674, %rem3A : i32
        %mul3A_676 = arith.constant 600 : i32
        %mul3A_677 = arith.muli %select_n3A_675, %mul3A_676 : i32
        %multiple_of3A_678 = tpu.assume_multiple %mul3A_677, 8 : i32
        %add3A_679 = arith.constant 0 : i32
        %add3A_680 = arith.addi %multiple_of3A_678, %add3A_679 : i32
        %add3A_681 = arith.constant 104 : i32
        %add3A_682 = arith.addi %add3A_680, %add3A_681 : i32
        %dma_start3A_683 = arith.constant 104 : i32
        %dma_start3A_684 = arith.constant 0 : i32
        %dma_start3A_685 = tpu.memref_slice %arg9[%dma_start3A_683, %dma_start3A_684] : memref<208x128xf32, #tpu.memory_space<vmem>> -> memref<96x128xf32, #tpu.memory_space<vmem>>
        %dma_start3A_686 = tpu.memref_slice %arg8[%add3A_682] : memref<1200xi32, #tpu.memory_space<vmem>> -> memref<96xi32, #tpu.memory_space<vmem>>
        %dma_start3A_687 = arith.constant 0 : i32
        %dma_start3A_688 = arith.constant 0 : i32
        %dma_start3A_689 = tpu.memref_slice %arg2[%dma_start3A_687, %dma_start3A_688] : memref<65536x128xf32, #tpu.memory_space<hbm>> -> memref<65536x128xf32, #tpu.memory_space<hbm>>
        tpu.enqueue_indirect_dma source(%dma_start3A_689 : memref<65536x128xf32, #tpu.memory_space<hbm>>) target(%dma_start3A_685 : memref<96x128xf32, #tpu.memory_space<vmem>>) offsets(%dma_start3A_686 : memref<96xi32, #tpu.memory_space<vmem>>) semaphore(%arg15 : memref<!tpu.dma_semaphore, #tpu.memory_space<semaphore_mem>>)
        %add3A_690 = arith.constant 200 : i32
        %add3A_691 = arith.addi %multiple_of3A_678, %add3A_690 : i32
        %add3A_692 = arith.constant 104 : i32
        %add3A_693 = arith.addi %add3A_691, %add3A_692 : i32
        %dma_start3A_694 = arith.constant 104 : i32
        %dma_start3A_695 = arith.constant 0 : i32
        %dma_start3A_696 = tpu.memref_slice %arg10[%dma_start3A_694, %dma_start3A_695] : memref<208x128xf32, #tpu.memory_space<vmem>> -> memref<96x128xf32, #tpu.memory_space<vmem>>
        %dma_start3A_697 = tpu.memref_slice %arg8[%add3A_693] : memref<1200xi32, #tpu.memory_space<vmem>> -> memref<96xi32, #tpu.memory_space<vmem>>
        %dma_start3A_698 = arith.constant 0 : i32
        %dma_start3A_699 = arith.constant 0 : i32
        %dma_start3A_700 = tpu.memref_slice %arg3[%dma_start3A_698, %dma_start3A_699] : memref<65536x128xf32, #tpu.memory_space<hbm>> -> memref<65536x128xf32, #tpu.memory_space<hbm>>
        tpu.enqueue_indirect_dma source(%dma_start3A_700 : memref<65536x128xf32, #tpu.memory_space<hbm>>) target(%dma_start3A_696 : memref<96x128xf32, #tpu.memory_space<vmem>>) offsets(%dma_start3A_697 : memref<96xi32, #tpu.memory_space<vmem>>) semaphore(%arg15 : memref<!tpu.dma_semaphore, #tpu.memory_space<semaphore_mem>>)
        %add3A_701 = arith.constant 400 : i32
        %add3A_702 = arith.addi %multiple_of3A_678, %add3A_701 : i32
        %add3A_703 = arith.constant 104 : i32
        %add3A_704 = arith.addi %add3A_702, %add3A_703 : i32
        %dma_start3A_705 = arith.constant 104 : i32
        %dma_start3A_706 = arith.constant 0 : i32
        %dma_start3A_707 = tpu.memref_slice %arg11[%dma_start3A_705, %dma_start3A_706] : memref<208x128xf32, #tpu.memory_space<vmem>> -> memref<96x128xf32, #tpu.memory_space<vmem>>
        %dma_start3A_708 = tpu.memref_slice %arg8[%add3A_704] : memref<1200xi32, #tpu.memory_space<vmem>> -> memref<96xi32, #tpu.memory_space<vmem>>
        %dma_start3A_709 = arith.constant 0 : i32
        %dma_start3A_710 = arith.constant 0 : i32
        %dma_start3A_711 = tpu.memref_slice %arg4[%dma_start3A_709, %dma_start3A_710] : memref<65536x128xf32, #tpu.memory_space<hbm>> -> memref<65536x128xf32, #tpu.memory_space<hbm>>
        tpu.enqueue_indirect_dma source(%dma_start3A_711 : memref<65536x128xf32, #tpu.memory_space<hbm>>) target(%dma_start3A_707 : memref<96x128xf32, #tpu.memory_space<vmem>>) offsets(%dma_start3A_708 : memref<96xi32, #tpu.memory_space<vmem>>) semaphore(%arg15 : memref<!tpu.dma_semaphore, #tpu.memory_space<semaphore_mem>>)
      } else {
      }
      %scan3A_663 = arith.constant 0 : i32
      scf.yield %scan3A_663 : i32
    }
    %scan3A_191 = arith.constant 32 : i32
    %add3A_192 = arith.constant 992 : i32
    %add3A_193 = arith.addi %add3A, %add3A_192 : i32
    %dma_wait3A_194 = arith.constant 0 : i32
    %dma_wait3A_195 = arith.constant 0 : i32
    %dma_wait3A_196 = tpu.memref_slice %arg7[%add3A_193, %dma_wait3A_194, %dma_wait3A_195] : memref<1024x200x128xf32, #tpu.memory_space<hbm>> -> memref<1x104x128xf32, #tpu.memory_space<hbm>>
    %dma_wait3A_197 = tpu.memref_squeeze %dma_wait3A_196 : memref<1x104x128xf32, #tpu.memory_space<hbm>> -> memref<104x128xf32, #tpu.memory_space<hbm>>
    %dma_wait3A_198 = arith.constant 0 : i32
    %dma_wait3A_199 = arith.constant 0 : i32
    %dma_wait3A_200 = tpu.memref_slice %arg7[%add3A_193, %dma_wait3A_198, %dma_wait3A_199] : memref<1024x200x128xf32, #tpu.memory_space<hbm>> -> memref<1x104x128xf32, #tpu.memory_space<hbm>>
    %dma_wait3A_201 = tpu.memref_squeeze %dma_wait3A_200 : memref<1x104x128xf32, #tpu.memory_space<hbm>> -> memref<104x128xf32, #tpu.memory_space<hbm>>
    tpu.wait_dma2 semaphore(%arg17 : memref<!tpu.dma_semaphore, #tpu.memory_space<semaphore_mem>>) src(%arg12 : memref<104x128xf32, #tpu.memory_space<vmem>>) dst(%dma_wait3A_201 : memref<104x128xf32, #tpu.memory_space<hbm>>)
    %dma_wait3A_202 = arith.constant 104 : i32
    %dma_wait3A_203 = arith.constant 0 : i32
    %dma_wait3A_204 = tpu.memref_slice %arg7[%add3A_193, %dma_wait3A_202, %dma_wait3A_203] : memref<1024x200x128xf32, #tpu.memory_space<hbm>> -> memref<1x96x128xf32, #tpu.memory_space<hbm>>
    %dma_wait3A_205 = tpu.memref_squeeze %dma_wait3A_204 : memref<1x96x128xf32, #tpu.memory_space<hbm>> -> memref<96x128xf32, #tpu.memory_space<hbm>>
    %dma_wait3A_206 = arith.constant 104 : i32
    %dma_wait3A_207 = arith.constant 0 : i32
    %dma_wait3A_208 = tpu.memref_slice %arg7[%add3A_193, %dma_wait3A_206, %dma_wait3A_207] : memref<1024x200x128xf32, #tpu.memory_space<hbm>> -> memref<1x96x128xf32, #tpu.memory_space<hbm>>
    %dma_wait3A_209 = tpu.memref_squeeze %dma_wait3A_208 : memref<1x96x128xf32, #tpu.memory_space<hbm>> -> memref<96x128xf32, #tpu.memory_space<hbm>>
    tpu.wait_dma2 semaphore(%arg18 : memref<!tpu.dma_semaphore, #tpu.memory_space<semaphore_mem>>) src(%arg13 : memref<96x128xf32, #tpu.memory_space<vmem>>) dst(%dma_wait3A_209 : memref<96x128xf32, #tpu.memory_space<hbm>>)
    return
  }
}

</mosaic_0001>

<sc_bundles>
// kernel: kernel.3.cloned.1.call-start
scs
__scs_entry_jumppad:
0x0: {  	(pc) =	sbr.rel $0x88, $3  }
0x1: {  	(tag) =	ssettag $0x0;
	lr =	simm.s32 $0x1  }
0x2: {  	[smem:$0x3F9C] =	sst lr;
	_ =	strace $0xD0000000  }
0x3: {  	_ = 	snop  }
0x4: {  	_ = 	snop  }
0x5: {  	_ = 	snop  }
0x6: {  	_ = 	snop  }
0x7: {  	_ = 	snop  }
__scs_overlays_trampoline_lowered:
0x8: {  	[smem:$0x3FAB] =	sst s0  }
0x9: {  	[smem:$0x3FAC] =	sst s1  }
0xa: {  	[smem:$0x3FAD] =	sst s2  }
0xb: {  	[smem:$0x3FAE] =	sst s3  }
0xc: {  	[smem:$0x3FAF] =	sst s4  }
0xd: {  	[smem:$0x3FB0] =	sst s5  }
0xe: {  	[smem:$0x3FB1] =	sst s6  }
0xf: {  	[smem:$0x3FB2] =	sst s7  }
0x10: {  	[smem:$0x3FB3] =	sst s8  }
0x11: {  	[smem:$0x3FB4] =	sst s9;
	s0 =	simm.s32 @!p0 $0x0  }
0x12: {  	s1 =	sld [smem:$0x3F9A];
	s0 =	simm.s32 @p0 $0x1  }
0x13: {  	[smem:$0x3FB5] =	sst s0;
	s0 =	simm.s32 @!p1 $0x0  }
0x14: {  	s2 =	sld [smem:$0x3F99];
	s0 =	simm.s32 @p1 $0x1  }
0x15: {  	[smem:$0x3FB6] =	sst s0;
	s0 =	simm.s32 @!p2 $0x0  }
0x16: {  	s3 =	sld [smem:$0x3FDB];
	s0 =	simm.s32 @p2 $0x1  }
0x17: {  	s4 =	simm.s32 $0x1BF5;
	[smem:$0x3FB8] =	sst s0  }
0x18: {  	s0 =	sld [smem:$0x3F9B];
	_ =	swait.ge [sflag:s4], $0x0  }
0x19: {  	s7 =	sld [smem:$0x3F9C]  }
0x1a: {  	s8 =	sadd.s32 $0xFFFFE003, lr  }
0x1b: {  	s9 =	sadd.s32 $0xFFFFFEF7, lr;
	s5 =	simm.s32 $0xFFFFFFFF;
	p2 =	slt.u32 s8, $0xFFFFF086  }
0x1c: {  	p1 =	slt.u32 s9, $0xF7A;
	s5 =	simm.s32 @!p2 $0x0  }
0x1d: {  	s5 =	simm.s32 @p1 $0x1;
	p0 =	seq.s32 s7, s2  }
0x1e: {  	s7 =	smul.u32 @!p0 $0xF7A, s2;
	p2 =	seq.s32 @!p0 s5, $0x0  }
0x1f: {  	s9 =	smul.u32 $0xF7A, s1;
	s8 =	simm.s32 @!p0 $0x1BF5;
	p2 =	por !p2, p0  }
0x20: {  	[sflag:s8] =	ssyncset.s32 @!p0 $0xFFFFF086;
	s6 =	sadd.s32 @!p0 s3, s7;
	s7 =	simm.s32 @!p0 $0x108  }
0x21: {  	s3 =	sadd.s32 s3, s9;
	s6 =	sadd.s32 @!p0 $0x88, s6;
	s7 =	simm.s32 @p2 $0x1082  }
0x22: {  	[simem:s7], [sflag:s8] =	dma.local @!p0 [hbm:s6], $0xF7A  }
0x23: {  	s9 =	sor.u32 $0xD0000000, s2;
	s6 =	simm.s32 $0x108;
	_ =	swait.ge @!p0 [sflag:s8], $0x0  }
0x24: {  	s3 =	sadd.s32 $0x88, s3;
	s6 =	simm.s32 @!p1 $0x1082;
	[sflag:s4] =	ssyncset.s32 $0xFFFFF086  }
0x25: {  	[simem:s6], [sflag:s4] =	dma.local [hbm:s3], $0xF7A  }
0x26: {  	[smem:$0x3F9C] =	sst s1;
	(tag) =	ssettag s2;
	_ =	strace s9  }
0x27: {  	s1 =	sld [smem:$0x3FAC]  }
0x28: {  	s2 =	sld [smem:$0x3FAD]  }
0x29: {  	s4 =	sld [smem:$0x3FAF]  }
0x2a: {  	p0 =	seq.s32 s5, $0x0;
	s5 =	sld [smem:$0x3FB0]  }
0x2b: {  	s6 =	sld [smem:$0x3FB1]  }
0x2c: {  	s7 =	sld [smem:$0x3FB2]  }
0x2d: {  	s3 =	simm.s32 $0x108;
	s8 =	sld [smem:$0x3FB3]  }
0x2e: {  	s3 =	simm.s32 @!p0 $0x1082;
	s9 =	sld [smem:$0x3FB4]  }
0x2f: {  	lr =	sadd.s32 s0, s3;
	s0 =	sld [smem:$0x3FAB]  }
0x30: {  	s3 =	sld [smem:$0x3FAE]  }
0x31: {  	[smem:$0x3FB7] =	sst s10  }
0x32: {  	s10 =	sld [smem:$0x3FB5];
	_ =	sdelay $0x3  }
0x33: {  	p0 =	seq.s32 s10, $0x1;
	s10 =	sld [smem:$0x3FB7];
	_ =	sdelay $0x3  }
0x34: {  	[smem:$0x3FB7] =	sst s10  }
0x35: {  	s10 =	sld [smem:$0x3FB6];
	_ =	sdelay $0x3  }
0x36: {  	p1 =	seq.s32 s10, $0x1;
	s10 =	sld [smem:$0x3FB7];
	_ =	sdelay $0x3  }
0x37: {  	[smem:$0x3FB7] =	sst s10  }
0x38: {  	s10 =	sld [smem:$0x3FB8]  }
0x39: {  	_ = 	snop;
	(pc) =	sbr.ind lr, $3  }
0x3a: {  	_ = 	snop  }
0x3b: {  	_ = 	snop  }
0x3c: {  	p2 =	seq.s32 s10, $0x1;
	s10 =	sld [smem:$0x3FB7]  }
0x3d: {  	_ =	shalt  }
0x3e: {  	_ =	shalt  }
0x3f: {  	_ =	shalt  }
0x40: {  	_ =	shalt  }
0x41: {  	_ =	shalt  }
0x42: {  	_ =	shalt  }
0x43: {  	_ =	shalt  }
0x44: {  	_ =	shalt  }
0x45: {  	_ =	shalt  }
0x46: {  	_ =	shalt  }
0x47: {  	_ =	shalt  }
0x48: {  	_ =	shalt  }
0x49: {  	_ =	shalt  }
0x4a: {  	_ =	shalt  }
0x4b: {  	_ =	shalt  }
0x4c: {  	_ =	shalt  }
0x4d: {  	_ =	shalt  }
0x4e: {  	_ =	shalt  }
0x4f: {  	_ =	shalt  }
0x50: {  	_ =	shalt  }
0x51: {  	_ =	shalt  }
0x52: {  	_ =	shalt  }
0x53: {  	_ =	shalt  }
0x54: {  	_ =	shalt  }
0x55: {  	_ =	shalt  }
0x56: {  	_ =	shalt  }
0x57: {  	_ =	shalt  }
0x58: {  	_ =	shalt  }
0x59: {  	_ =	shalt  }
0x5a: {  	_ =	shalt  }
0x5b: {  	_ =	shalt  }
0x5c: {  	_ =	shalt  }
0x5d: {  	_ =	shalt  }
0x5e: {  	_ =	shalt  }
0x5f: {  	_ =	shalt  }
0x60: {  	_ =	shalt  }
0x61: {  	_ =	shalt  }
0x62: {  	_ =	shalt  }
0x63: {  	_ =	shalt  }
0x64: {  	_ =	shalt  }
0x65: {  	_ =	shalt  }
0x66: {  	_ =	shalt  }
0x67: {  	_ =	shalt  }
0x68: {  	_ =	shalt  }
0x69: {  	_ =	shalt  }
0x6a: {  	_ =	shalt  }
0x6b: {  	_ =	shalt  }
0x6c: {  	_ =	shalt  }
0x6d: {  	_ =	shalt  }
0x6e: {  	_ =	shalt  }
0x6f: {  	_ =	shalt  }
0x70: {  	_ =	shalt  }
0x71: {  	_ =	shalt  }
0x72: {  	_ =	shalt  }
0x73: {  	_ =	shalt  }
0x74: {  	_ =	shalt  }
0x75: {  	_ =	shalt  }
0x76: {  	_ =	shalt  }
0x77: {  	_ =	shalt  }
0x78: {  	_ =	shalt  }
0x79: {  	_ =	shalt  }
0x7a: {  	_ =	shalt  }
0x7b: {  	_ =	shalt  }
0x7c: {  	_ =	shalt  }
0x7d: {  	_ =	shalt  }
0x7e: {  	_ =	shalt  }
0x7f: {  	_ =	shalt  }
0x80: {  	_ =	shalt  }
0x81: {  	_ =	shalt  }
0x82: {  	_ =	shalt  }
0x83: {  	_ =	shalt  }
0x84: {  	_ =	shalt  }
0x85: {  	_ =	shalt  }
0x86: {  	_ =	shalt  }
0x87: {  	_ =	shalt  }
.Lfunc_end0:
.L_simem_size_0:
called_computation_lowered:
.L_overlay_start_0:
0x88: {  	s2 =	sld [smem:$0x3FD9]  }
0x89: {  	s3 =	sld [smem:$0x3FFE];
	_ =	sdelay $0x1  }
0x8a: {  	s1 =	srdreg.scid  }
0x8b: {  	s0 =	sand.u32 $0x1, s1  }
0x8c: {  	s17 =	sshll.u32 s0, $0xA;
	s2 =	sadd.s32 s3, s2  }
0x8d: {  	s2 =	sadd.s32 s2, s17  }
0x8e: {  	[smem:$0x3FC3] =	sst s2  }
0x8f: {  	_ = 	snop  }
0x90: {  	s2 =	sld [smem:$0x3FC9]  }
0x91: {  	s18 =	sld [smem:$0x3FC8]  }
0x92: {  	s4 =	sld [smem:$0x3FC7]  }
0x93: {  	s5 =	sld [smem:$0x3FC6]  }
0x94: {  	s6 =	sld [smem:$0x3FD0];
	(tm) =	ssettm $0x1  }
0x95: {  	s7 =	sld [smem:$0x3FFB];
	_ =	sdelay $0x3  }
0x96: {  	_ =	strace s7  }
0x97: {  	s7 =	sld [smem:$0x3FFC];
	_ =	sdelay $0x3  }
0x98: {  	_ =	strace s7  }
0x99: {  	s7 =	sld [smem:$0x3FFD];
	_ =	sdelay $0x3  }
0x9a: {  	_ =	strace s7  }
0x9b: {  	_ =	strace $0x8FFFFFFF  }
0x9c: {  	s19 =	sld [smem:$0x3FDB];
	_ =	sdelay $0x1  }
0x9d: {  	s8 =	simm.s32 $_scs_section_size  }
0x9e: {  	s9 =	simm.s32 $_size__tile_overlayer_lowered;
	s10 =	simm.s32 $_tile_overlayer_lowered  }
0x9f: {  	s22 =	simm.s32 $0x1BFF;
	s21 =	sshll.u32 s10, $0x1;
	s7 =	sadd.s32 s8, s19  }
0xa0: {  	s11 =	simm.s32 $0x0;
	s20 =	sshll.u32 s9, $0x1;
	s9 =	sadd.s32 s21, s7  }
0xa1: {  	[timem:s11], [sflag:s22] =	dma.local [hbm:s9], s20  }
0xa2: {  	_ =	swait.ge [sflag:s22], s20  }
0xa3: {  	s8 =	ssub.s32 $0x0, s20;
	[sflag:s22] =	ssyncset.done $0x0  }
0xa4: {  	[sflag:s22] =	ssyncadd.s32 s8;
	_ =	sdelay $0x1  }
0xa5: {  	s23 =	simm.s32 $0x1B8B  }
0xa6: {  	_ =	swait.ge [sflag:s23], $0x1  }
0xa7: {  	[sflag:s23] =	ssyncset.done $0x0  }
0xa8: {  	s25 =	simm.s32 $0x1B8E;
	s24 =	sld [smem:$0x3FFE];
	[sflag:s23] =	ssyncadd.s32 $0xFFFFFFFF  }
0xa9: {  	s26 =	simm.s32 $execute0_lowered;
	[smem:$0x3FD2] =	sst s25  }
0xaa: {  	s9 =	sshll.u32 s26, $0x1;
	_ =	strace $0x80000046;
	[dreg:$0x1] =	wrdreg $0xFFFFFFFF  }
0xab: {  	s28 =	simm.s32 $_size_execute0_lowered;
	s7 =	sadd.s32 s7, s9;
	[dreg:$0x0] =	wrdreg $0x0  }
0xac: {  	s9 =	sshll.u32 s28, $0x1;
	[dreg:$0x2] =	wrdreg s7  }
0xad: {  	[dreg:$0x3] =	wrdreg s9  }
0xae: {  	[dreg:$0x4] =	wrdreg $0xC0  }
0xaf: {  	_ =	task [dreg:s11], $0x5FFFF  }
0xb0: {  	[dreg:$0x1] =	wrdreg $0xFFFFFFFF  }
0xb1: {  	[dreg:$0x0] =	wrdreg $0x60  }
0xb2: {  	[dreg:$0x2] =	wrdreg s2  }
0xb3: {  	[dreg:$0x3] =	wrdreg s18  }
0xb4: {  	[dreg:$0x4] =	wrdreg s4  }
0xb5: {  	[dreg:$0x5] =	wrdreg s5  }
0xb6: {  	[dreg:$0x6] =	wrdreg s24  }
0xb7: {  	[dreg:$0x7] =	wrdreg s6  }
0xb8: {  	[dreg:$0x8] =	wrdreg $0x9  }
0xb9: {  	_ =	task.clear_ibuf [dreg:s11], $0x9FFFF;
	_ =	strace $0x90000046  }
0xba: {  	s29 =	simm.s32 $0x9;
	_ =	strace $0x80000048  }
0xbb: {  	_ =	swait.ge [sflag:s29], $0x1  }
0xbc: {  	[sflag:s29] =	ssyncadd.s32 $0xFFFFFFFF  }
0xbd: {  	_ =	strace $0x90000048  }
0xbe: {  	_ =	sfence  }
0xbf: {  	s30 =	sld [smem:$0x0];
	_ =	sdelay $0x2  }
0xc0: {  	s31 =	sshll.u32 s1, $0xD;
	s1 =	sshrl.u32 s1, $0x2  }
0xc1: {  	s3 =	sand.u32 $0x4000, s31;
	s1 =	sadd.s32 s1, s30  }
0xc2: {  	s0 =	sor.u32 s3, s0;
	s1 =	sshll.u32 s1, $0x11  }
0xc3: {  	s0 =	sor.u32 s1, s0  }
0xc4: {  	s0 =	sadd.s32 $0x8F2B, s0  }
0xc5: {  	[sflag:s0] =	ssyncadd.remote.s32 $0x1  }
0xc6: {  	_ =	sfence.sel $0xFFFF  }
0xc7: {  	[dreg:$0x0] =	wrdreg $0xFFFFFFFF;
	(pc) =	sbr.abs _section_cstart, $3  }
0xc8: {  	[dreg:$0x1] =	wrdreg $0xFFFFFFFF  }
0xc9: {  	_ =	task.clear_ibuf [dreg:s11], $0x2FFFF;
	_ =	strace $0x9FFFFFFF  }
0xca: {  	(tm) =	ssettm $0x7FFFFFFF  }
0xcb: {  	_ =	shalt  }
tec
execute0_lowered:
.L_overlay_start_1:
0x0: {  	(tag) =	ssettag $0x1  }
0x1: {  	s0 =	rddreg [dreg:$0x0]  }
0x2: {  	s2 =	rddreg [dreg:$0x1]  }
0x3: {  	s3 =	rddreg [dreg:$0x2]  }
0x4: {  	s1 =	srdreg.scid;
	s4 =	rddreg [dreg:$0x4]  }
0x5: {  	s5 =	stileid.u32;
	s6 =	rddreg [dreg:$0x5];
	s8 =	simm.s32 $0x0  }
0x6: {  	s15 =	simm.s32 $0x6;
	s17 =	simm.s32 $0x3;
	s18 =	simm.s32 $0x68  }
0x7: {  	s24 =	simm.s32 $0x60;
	s28 =	simm.s32 $0xA100;
	s30 =	simm.s32 $0x10900  }
0x8: {  	s31 =	simm.s32 $0x1;
	s1 =	sand.u32 $0x1, s1;
	s5 =	sshll.u32 s5, $0x1  }
0x9: {  	s14 =	simm.s32 $0x4;
	s16 =	simm.s32 $0x5;
	s7 =	sor.u32 s1, s5  }
0xa: {  	s19 =	simm.s32 $0x0;
	[smem:$0x7FF] =	sst s8;
	s5 =	smul.u32 $0x258, s7  }
0xb: {  	s9 =	sadd.s32 $0x400, s4;
	s1 =	ssub.s32 $0x2, s1;
	s10 =	smul.u32 $0x4B, s7  }
.Ltmp0:
0xc: {  	s4 =	simm.s32 $0x17100;
	s25 =	sshrl.u32 s1, $0x1;
	(pc) =	sbr.rel .LBB2_1-.Ltmp0, $4  }
0xd: {  	_ =	strace $0x80000047;
	s12 =	sor.u32 $0x40, s7;
	s1 =	ssub.s32 s1, s25  }
0xe: {  	s25 =	simm.s32 $0x3900;
	s5 =	sshrl.u32 s5, $0x3;
	s29 =	sadd.s32 s9, s10  }
0xf: {  	s13 =	smax.u32 s1, $0x1;
	s1 =	simm.s32 $0x13D00;
	s26 =	sadd.s32 s9, s5  }
0x10: {  	v0 =	vimm.f32 $0.0e+00;
	[dreg:$0x7] =	wrdreg s29;
	s5 =	simm.s32 $0x2;
	s11 =	sadd.s32 $0x960, s26  }
.LBB2_8:
0x11: {  	s19 =	sadd.s32 $0x1, s19  }
0x12: {  	_ =	swait.ge [sflag:s14], $0x3400;
	p0 =	sne.s32 s19, s13  }
.Ltmp1:
0x13: {  	[sflag:s14] =	ssyncset.done $0x0;
	(pc) =	sbr.rel @!p0 .LBB2_9-.Ltmp1, $4  }
0x14: {  	[sflag:s14] =	ssyncadd.s32 $0xFFFFCC00  }
0x15: {  	_ =	swait.ge [sflag:s16], $0x3000  }
0x16: {  	[sflag:s16] =	ssyncset.done $0x0  }
0x17: {  	[sflag:s16] =	ssyncadd.s32 $0xFFFFD000  }
.LBB2_1:
0x18: {  	s10 =	rddreg [dreg:$0x3];
	s20 =	simm.s32 $0x6900  }
0x19: {  	[tilespmem:s20], [sflag:$0x6] =	stream.linear.gather [hbm4b:s10+s8], $0x80, $0x38;
	[tilespmem:$0x1A100] =	vst v63  }
0x1a: {  	_ =	swait.ge [sflag:s15], $0x80  }
0x1b: {  	[sflag:s15] =	ssyncset.done $0x0  }
0x1c: {  	[sflag:s15] =	ssyncadd.s32 $0xFFFFFF80  }
0x1d: {  	[tilespmem:$0xD100] =	vst v0  }
0x1e: {  	[tilespmem:$0x13900] =	vst v0  }
0x1f: {  	[tilespmem:$0xD110] =	vst v0  }
0x20: {  	[tilespmem:$0x13910] =	vst v0  }
0x21: {  	[tilespmem:$0xD120] =	vst v0  }
0x22: {  	[tilespmem:$0x13920] =	vst v0  }
0x23: {  	[tilespmem:$0xD130] =	vst v0  }
0x24: {  	[tilespmem:$0x13930] =	vst v0  }
0x25: {  	[tilespmem:$0xD140] =	vst v0  }
0x26: {  	[tilespmem:$0x13940] =	vst v0  }
0x27: {  	[tilespmem:$0xD150] =	vst v0  }
0x28: {  	[tilespmem:$0x13950] =	vst v0  }
0x29: {  	[tilespmem:$0xD160] =	vst v0  }
0x2a: {  	[tilespmem:$0x13960] =	vst v0  }
0x2b: {  	[tilespmem:$0xD170] =	vst v0  }
0x2c: {  	s23 =	rddreg [dreg:$0x7];
	[tilespmem:$0x13970] =	vst v0  }
0x2d: {  	[tilespmem:s8], [sflag:$0x3] =	stream.linear.gather [hbm4b:s23+s8], $0x258, $0x38;
	[tilespmem:$0x1A100] =	vst v63  }
0x2e: {  	s26 =	simm.s32 $0x258  }
0x2f: {  	[tilespmem:s26], [sflag:$0x3] =	stream.linear.gather [hbm4b:s11+s8], $0x258, $0x38;
	[tilespmem:$0x1A100] =	vst v63  }
0x30: {  	_ =	swait.ge [sflag:s17], $0x258  }
0x31: {  	[sflag:s17] =	ssyncset.done $0x0  }
0x32: {  	s29 =	simm.s32 $0x500;
	[sflag:s17] =	ssyncadd.s32 $0xFFFFFDA8  }
0x33: {  	[tilespmem:s29], [sflag:$0x1] =	stream.indirect.gather [hbm4b:s0+s18], $0x80, s8, s18, $0xb8;
	[tilespmem:$0x1A100] =	vst v63  }
0x34: {  	s21 =	simm.s32 $0x6D00;
	s20 =	simm.s32 $0xC8  }
0x35: {  	[tilespmem:s21], [sflag:$0x1] =	stream.indirect.gather [hbm4b:s2+s18], $0x80, s20, s18, $0xb8;
	[tilespmem:$0x1A100] =	vst v63  }
0x36: {  	s22 =	simm.s32 $0x190;
	s23 =	simm.s32 $0xD500  }
0x37: {  	[tilespmem:s23], [sflag:$0x1] =	stream.indirect.gather [hbm4b:s3+s18], $0x80, s22, s18, $0xb8;
	[tilespmem:$0x1A100] =	vst v63  }
0x38: {  	_ = 	snop  }
0x39: {  	[tilespmem:s25], [sflag:$0x2] =	stream.indirect.gather [hbm4b:s0+s24], $0x80, s18, s24, $0xb8;
	[tilespmem:$0x1A100] =	vst v63  }
0x3a: {  	s26 =	simm.s32 $0x130  }
0x3b: {  	[tilespmem:s28], [sflag:$0x2] =	stream.indirect.gather [hbm4b:s2+s24], $0x80, s26, s24, $0xb8;
	[tilespmem:$0x1A100] =	vst v63  }
0x3c: {  	s29 =	simm.s32 $0x1F8;
	s20 =	simm.s32 $0x0  }
0x3d: {  	[tilespmem:s30], [sflag:$0x2] =	stream.indirect.gather [hbm4b:s3+s24], $0x80, s29, s24, $0xb8;
	[tilespmem:$0x1A100] =	vst v63  }
.LBB2_2:
0x3e: {  	p0 =	seq.s32 s20, $0x0  }
0x3f: {  	s21 =	simm.s32 @!p0 $0x4  }
0x40: {  	_ =	swait.ge @!p0 [sflag:s21], $0x3400  }
0x41: {  	[sflag:s21] =	ssyncset.done @!p0 $0x0  }
0x42: {  	[sflag:s21] =	ssyncadd.s32 @!p0 $0xFFFFCC00  }
0x43: {  	_ =	swait.ge [sflag:s31], $0x3400  }
0x44: {  	[sflag:s31] =	ssyncset.done $0x0  }
0x45: {  	[sflag:s31] =	ssyncadd.s32 $0xFFFFCC00  }
0x46: {  	_ =	swait.ge [sflag:s31], $0x3400  }
0x47: {  	[sflag:s31] =	ssyncset.done $0x0  }
0x48: {  	[sflag:s31] =	ssyncadd.s32 $0xFFFFCC00  }
0x49: {  	_ =	swait.ge [sflag:s31], $0x3400  }
0x4a: {  	[sflag:s31] =	ssyncset.done $0x0  }
0x4b: {  	[sflag:s31] =	ssyncadd.s32 $0xFFFFCC00  }
0x4c: {  	v2 =	vld [tilespmem:$0x500]  }
0x4d: {  	v3 =	vld [tilespmem:$0x6D00]  }
0x4e: {  	v4 =	vld [tilespmem:$0xD500]  }
0x4f: {  	v5 =	vld [tilespmem:$0x510]  }
0x50: {  	v6 =	vld [tilespmem:$0x6D10]  }
0x51: {  	v7 =	vld [tilespmem:$0xD510]  }
0x52: {  	v8 =	vld [tilespmem:$0x520]  }
0x53: {  	v9 =	vld [tilespmem:$0x6D20]  }
0x54: {  	v10 =	vld [tilespmem:$0xD520]  }
0x55: {  	v11 =	vld [tilespmem:$0x530]  }
0x56: {  	v12 =	vld [tilespmem:$0x6D30]  }
0x57: {  	v13 =	vld [tilespmem:$0xD530]  }
0x58: {  	v14 =	vld [tilespmem:$0x540]  }
0x59: {  	v15 =	vld [tilespmem:$0x6D40]  }
0x5a: {  	v16 =	vld [tilespmem:$0xD540]  }
0x5b: {  	v17 =	vld [tilespmem:$0x550]  }
0x5c: {  	v18 =	vld [tilespmem:$0x6D50]  }
0x5d: {  	v19 =	vld [tilespmem:$0xD550]  }
0x5e: {  	v20 =	vld [tilespmem:$0x560]  }
0x5f: {  	v21 =	vld [tilespmem:$0x6D60]  }
0x60: {  	v22 =	vld [tilespmem:$0xD560]  }
0x61: {  	v1 =	vld [tilespmem:$0x570]  }
0x62: {  	v23 =	vld [tilespmem:$0x6D70]  }
0x63: {  	s23 =	simm.s32 $0x0;
	v24 =	vld [tilespmem:$0xD570]  }
0x64: {  	v25 =	vld [tilespmem:s23+$0x5F0]  }
0x65: {  	v26 =	vld [tilespmem:s23+$0x6DF0]  }
0x66: {  	v27 =	vld [tilespmem:s23+$0x580]  }
0x67: {  	v28 =	vld [tilespmem:s23+$0xD5F0]  }
0x68: {  	v29 =	vld [tilespmem:s23+$0x6D80]  }
0x69: {  	v30 =	vld [tilespmem:s23+$0x590]  }
0x6a: {  	v31 =	vld [tilespmem:s23+$0x6D90]  }
0x6b: {  	v60 =	vld [tilespmem:s23+$0x5A0]  }
0x6c: {  	v61 =	vld [tilespmem:s23+$0x6DA0]  }
0x6d: {  	v62 =	vld [tilespmem:s23+$0x6DB0]  }
0x6e: {  	v32 =	vld [tilespmem:s23+$0x5C0];
	v1 =	vadd.f32 v23, v1;
	v23 =	vadd.f32 v26, v25  }
0x6f: {  	v33 =	vld [tilespmem:s23+$0x6DC0];
	v2 =	vadd.f32 v3, v2;
	v3 =	vadd.f32 v6, v5  }
0x70: {  	v5 =	vadd.f32 v9, v8;
	v9 =	vld [tilespmem:s23+$0x5D0];
	v24 =	vadd.f32 v24, v1  }
0x71: {  	v1 =	vadd.f32 v28, v23;
	v23 =	vld [tilespmem:s23+$0x5B0];
	v63 =	vadd.f32 v4, v2  }
0x72: {  	v7 =	vadd.f32 v7, v3;
	v2 =	vld [tilespmem:s23+$0x6DD0];
	v5 =	vadd.f32 v10, v5  }
0x73: {  	v3 =	vadd.f32 v12, v11;
	v10 =	vld [tilespmem:s23+$0x5E0];
	v4 =	vadd.f32 v15, v14  }
0x74: {  	v11 =	vadd.f32 v18, v17;
	v12 =	vld [tilespmem:s23+$0x6DE0];
	v14 =	vadd.f32 v33, v32  }
0x75: {  	v17 =	vld [tilespmem:s23+$0xD580];
	v8 =	vadd.f32 v13, v3;
	v3 =	vadd.f32 v21, v20  }
0x76: {  	v6 =	vadd.f32 v16, v4;
	v4 =	vadd.f32 v19, v11;
	v11 =	vld [tilespmem:s23+$0xD590]  }
0x77: {  	v24 =	vadd.f32 v1, v24;
	v16 =	vadd.f32 v29, v27;
	v21 =	vld [tilespmem:s23+$0xD5A0]  }
0x78: {  	v20 =	vadd.f32 v31, v30;
	v19 =	vld [tilespmem:s23+$0xD5B0];
	v3 =	vadd.f32 v22, v3  }
0x79: {  	v18 =	vld [tilespmem:s23+$0xD5C0];
	v22 =	vadd.f32 v61, v60;
	v15 =	vadd.f32 v62, v23  }
0x7a: {  	v13 =	vadd.f32 v2, v9;
	v2 =	vadd.f32 v17, v16;
	v17 =	vld [tilespmem:s23+$0xD5D0]  }
0x7b: {  	s22 =	sshll.u32 s20, $0x5;
	s26 =	simm.s32 $0x80;
	[tilespmem:s23+$0x13D70] =	vst v24;
	v12 =	vadd.f32 v12, v10;
	v16 =	vld [tilespmem:s23+$0xD5E0];
	v9 =	vadd.f32 v11, v20  }
0x7c: {  	s29 =	simm.s32 $0x400;
	s21 =	sor.u32 s7, s22;
	v11 =	vld [tilespmem:s26+$0x5F0];
	v20 =	vadd.f32 v2, v63;
	v10 =	vadd.f32 v21, v22  }
.LBB2_3:
0x7d: {  	p1 =	sne.s32 s29, $0xCC00;
	v21 =	vld [tilespmem:s26+$0x6DF0];
	v22 =	vadd.f32 v9, v7;
	v15 =	vadd.f32 v19, v15;
	v7 =	vmov v9  }
0x7e: {  	v9 =	vld [tilespmem:s26+$0x580];
	[tilespmem:s23+$0x13D00] =	vst v20;
	v19 =	vadd.f32 v10, v5;
	v14 =	vadd.f32 v18, v14;
	v5 =	vmov v10  }
0x7f: {  	v10 =	vld [tilespmem:s26+$0xD5F0];
	[tilespmem:s23+$0x13D10] =	vst v22;
	v18 =	vadd.f32 v15, v8;
	v13 =	vadd.f32 v17, v13;
	v8 =	vmov v15  }
0x80: {  	v15 =	vld [tilespmem:s26+$0x6D80];
	[tilespmem:s23+$0x13D20] =	vst v19;
	v17 =	vadd.f32 v14, v6;
	v12 =	vadd.f32 v16, v12;
	v6 =	vmov v14  }
0x81: {  	v14 =	vld [tilespmem:s26+$0x590];
	[tilespmem:s23+$0x13D30] =	vst v18;
	v16 =	vadd.f32 v13, v4;
	v4 =	vmov v13  }
0x82: {  	v13 =	vld [tilespmem:s26+$0x6D90];
	v11 =	vadd.f32 v21, v11;
	[tilespmem:s23+$0x13D40] =	vst v17;
	v17 =	vadd.f32 v12, v3;
	v3 =	vmov v12  }
0x83: {  	v12 =	vld [tilespmem:s26+$0x5A0];
	[tilespmem:s23+$0x13D50] =	vst v16  }
0x84: {  	v16 =	vld [tilespmem:s26+$0x6DA0];
	v10 =	vadd.f32 v10, v11;
	[tilespmem:s23+$0x13D60] =	vst v17;
	s23 =	smov.u32 s26  }
0x85: {  	v9 =	vadd.f32 v15, v9;
	v11 =	vld [tilespmem:s23+$0x5B0]  }
0x86: {  	v15 =	vld [tilespmem:s23+$0x6DB0];
	v17 =	vadd.f32 v10, v1;
	v1 =	vmov v10  }
0x87: {  	v10 =	vadd.f32 v13, v14;
	v13 =	vld [tilespmem:s23+$0x5C0]  }
0x88: {  	v14 =	vld [tilespmem:s23+$0x6DC0];
	[tilespmem:s23+$0x13D70] =	vst v17  }
0x89: {  	v21 =	vadd.f32 v16, v12;
	v12 =	vld [tilespmem:s23+$0x5D0]  }
0x8a: {  	v16 =	vld [tilespmem:s23+$0x6DD0]  }
0x8b: {  	v15 =	vadd.f32 v15, v11;
	v11 =	vld [tilespmem:s23+$0x5E0]  }
0x8c: {  	v17 =	vld [tilespmem:s23+$0x6DE0]  }
0x8d: {  	v20 =	vld [tilespmem:s23+$0xD580];
	v14 =	vadd.f32 v14, v13  }
0x8e: {  	v22 =	vld [tilespmem:s23+$0xD590]  }
0x8f: {  	v23 =	vld [tilespmem:s23+$0xD5A0];
	v13 =	vadd.f32 v16, v12  }
.Ltmp2:
0x90: {  	v19 =	vld [tilespmem:s23+$0xD5B0];
	(pc) =	sbr.rel @p1 .LBB2_3-.Ltmp2, $4  }
0x91: {  	v18 =	vld [tilespmem:s23+$0xD5C0];
	v12 =	vadd.f32 v17, v11  }
0x92: {  	v24 =	vadd.f32 v20, v9;
	v17 =	vld [tilespmem:s23+$0xD5D0]  }
0x93: {  	s26 =	sshra.s32 s29, $0x2;
	v9 =	vadd.f32 v22, v10;
	v16 =	vld [tilespmem:s23+$0xD5E0]  }
0x94: {  	s29 =	sadd.s32 $0x200, s29;
	v11 =	vld [tilespmem:s26+$0x5F0];
	v20 =	vadd.f32 v24, v2;
	v10 =	vadd.f32 v23, v21;
	v2 =	vmov v24  }
0x95: {  	v21 =	vld [tilespmem:s26+$0x6DF0];
	v7 =	vadd.f32 v9, v7;
	v15 =	vadd.f32 v19, v15  }
0x96: {  	v22 =	vld [tilespmem:s26+$0x580];
	[tilespmem:s23+$0x13D00] =	vst v20;
	v5 =	vadd.f32 v10, v5;
	v14 =	vadd.f32 v18, v14  }
0x97: {  	v20 =	vld [tilespmem:s26+$0xD5F0];
	[tilespmem:s23+$0x13D10] =	vst v7;
	v7 =	vadd.f32 v15, v8;
	v8 =	vadd.f32 v17, v13  }
0x98: {  	v19 =	vld [tilespmem:s26+$0x6D80];
	[tilespmem:s23+$0x13D20] =	vst v5;
	v6 =	vadd.f32 v14, v6;
	v12 =	vadd.f32 v16, v12  }
0x99: {  	v5 =	vld [tilespmem:s26+$0x590];
	[tilespmem:s23+$0x13D30] =	vst v7;
	v4 =	vadd.f32 v8, v4  }
0x9a: {  	v13 =	vld [tilespmem:s26+$0x6D90];
	[tilespmem:s23+$0x13D40] =	vst v6;
	v3 =	vadd.f32 v12, v3  }
0x9b: {  	v6 =	vld [tilespmem:s26+$0x5A0];
	[tilespmem:s23+$0x13D50] =	vst v4  }
0x9c: {  	v4 =	vadd.f32 v21, v11;
	v11 =	vld [tilespmem:s26+$0x6DA0];
	[tilespmem:s23+$0x13D60] =	vst v3  }
0x9d: {  	v3 =	vld [tilespmem:s26+$0x5B0]  }
0x9e: {  	v7 =	vadd.f32 v20, v4;
	v4 =	vld [tilespmem:s26+$0x6DB0]  }
0x9f: {  	v16 =	vld [tilespmem:s26+$0x5C0]  }
0xa0: {  	v17 =	vld [tilespmem:s26+$0x6DC0]  }
0xa1: {  	v18 =	vld [tilespmem:s26+$0x6DD0]  }
0xa2: {  	v20 =	vld [tilespmem:s26+$0x5E0]  }
0xa3: {  	v21 =	vld [tilespmem:s26+$0x6DE0]  }
0xa4: {  	v23 =	vld [tilespmem:s26+$0xD580]  }
0xa5: {  	v24 =	vld [tilespmem:s26+$0xD590];
	v1 =	vadd.f32 v7, v1  }
0xa6: {  	v19 =	vadd.f32 v19, v22;
	v22 =	vld [tilespmem:s26+$0xD5A0]  }
0xa7: {  	v5 =	vadd.f32 v13, v5;
	[tilespmem:s26+$0x13D70] =	vst v1;
	v1 =	vld [tilespmem:s26+$0x5D0]  }
0xa8: {  	v6 =	vadd.f32 v11, v6;
	v11 =	vld [tilespmem:s26+$0xD5B0];
	v3 =	vadd.f32 v4, v3  }
0xa9: {  	v13 =	vld [tilespmem:s26+$0xD5C0];
	v4 =	vadd.f32 v17, v16;
	v16 =	vadd.f32 v23, v19  }
0xaa: {  	v17 =	vld [tilespmem:s26+$0xD5D0];
	v5 =	vadd.f32 v24, v5  }
0xab: {  	v19 =	vld [tilespmem:s26+$0xD5E0];
	v6 =	vadd.f32 v22, v6;
	v2 =	vadd.f32 v16, v2  }
0xac: {  	v9 =	vadd.f32 v5, v9;
	v1 =	vadd.f32 v18, v1  }
0xad: {  	v18 =	vadd.f32 v21, v20;
	v11 =	vadd.f32 v11, v3  }
0xae: {  	[tilespmem:s26+$0x13D00] =	vst v2;
	v2 =	vadd.f32 v6, v10;
	v10 =	vadd.f32 v13, v4  }
0xaf: {  	[tilespmem:s26+$0x13D10] =	vst v9;
	v3 =	vadd.f32 v11, v15;
	v9 =	vadd.f32 v17, v1  }
0xb0: {  	[tilespmem:s26+$0x13D20] =	vst v2;
	v1 =	vadd.f32 v10, v14;
	v13 =	vadd.f32 v19, v18  }
0xb1: {  	[tilespmem:s26+$0x13D30] =	vst v3;
	v2 =	vadd.f32 v9, v8  }
0xb2: {  	p1 =	seq.s32 s20, $0x1F;
	[tilespmem:s26+$0x13D40] =	vst v1;
	v1 =	vadd.f32 v13, v12  }
0xb3: {  	s23 =	sxor.u32 @!p1 $0xFFFFFFFF, s20;
	[tilespmem:s26+$0x13D50] =	vst v2  }
0xb4: {  	s23 =	sand.u32 @!p1 $0x1, s23;
	[tilespmem:s26+$0x13D60] =	vst v1;
	s26 =	simm.s32 @!p1 $0x3  }
0xb5: {  	s23 =	smul.u32 @!p1 $0x960, s23;
	_ =	swait.ge @!p1 [sflag:s26], $0x258  }
0xb6: {  	s29 =	simm.s32 @!p1 $0x500;
	[sflag:s26] =	ssyncset.done @!p1 $0x0  }
0xb7: {  	s23 =	sshrl.u32 @!p1 s23, $0x2;
	[sflag:s26] =	ssyncadd.s32 @!p1 $0xFFFFFDA8;
	s26 =	simm.s32 @!p1 $0x68  }
0xb8: {  	[tilespmem:s29], [sflag:$0x1] =	stream.indirect.gather @!p1 [hbm4b:s0+s26], $0x80, s23, s26, $0xb8;
	[tilespmem:$0x1A100] =	vst v63  }
0xb9: {  	s10 =	simm.s32 @!p1 $0x6D00;
	s29 =	sadd.s32 @!p1 $0xC8, s23  }
0xba: {  	[tilespmem:s10], [sflag:$0x1] =	stream.indirect.gather @!p1 [hbm4b:s2+s26], $0x80, s29, s26, $0xb8;
	[tilespmem:$0x1A100] =	vst v63  }
0xbb: {  	s10 =	sadd.s32 @!p1 $0x190, s23;
	s23 =	simm.s32 @!p1 $0xD500  }
0xbc: {  	[tilespmem:s23], [sflag:$0x1] =	stream.indirect.gather @!p1 [hbm4b:s3+s26], $0x80, s10, s26, $0xb8;
	[tilespmem:$0x1A100] =	vst v63  }
0xbd: {  	_ =	swait.ge [sflag:s5], $0x3000  }
0xbe: {  	[sflag:s5] =	ssyncset.done $0x0  }
0xbf: {  	[sflag:s5] =	ssyncadd.s32 $0xFFFFD000  }
0xc0: {  	p2 =	sgt.u32 s20, $0x1D;
	_ =	swait.ge [sflag:s5], $0x3000  }
0xc1: {  	s22 =	sadd.s32 @!p2 s12, s22;
	[sflag:s5] =	ssyncset.done $0x0  }
0xc2: {  	s10 =	sand.u32 @!p2 $0x1, s20;
	s23 =	simm.s32 @!p2 $0x0;
	[sflag:s5] =	ssyncadd.s32 $0xFFFFD000  }
0xc3: {  	p3 =	seq.s32 @!p2 s10, $0x1;
	s10 =	smul.u32 @!p2 $0x4B, s22;
	_ =	swait.ge [sflag:s5], $0x3000  }
0xc4: {  	s22 =	simm.s32 @!p2 $0x258;
	p3 =	por !p3, p2;
	[sflag:s5] =	ssyncset.done $0x0  }
0xc5: {  	s22 =	simm.s32 @p3 $0x0;
	s10 =	sadd.s32 @!p2 s9, s10;
	[sflag:s5] =	ssyncadd.s32 $0xFFFFD000  }
0xc6: {  	[tilespmem:s22], [sflag:$0x3] =	stream.linear.gather @!p2 [hbm4b:s10+s23], $0x258, $0x38;
	[tilespmem:$0x1A100] =	vst v63  }
0xc7: {  	v1 =	vld [tilespmem:$0x3900]  }
0xc8: {  	v2 =	vld [tilespmem:$0xA100]  }
0xc9: {  	v3 =	vld [tilespmem:$0x10900]  }
0xca: {  	v4 =	vld [tilespmem:$0x3910]  }
0xcb: {  	v8 =	vld [tilespmem:$0xA110]  }
0xcc: {  	v12 =	vld [tilespmem:$0x10910]  }
0xcd: {  	v14 =	vld [tilespmem:$0x3920]  }
0xce: {  	v15 =	vld [tilespmem:$0xA120]  }
0xcf: {  	v17 =	vld [tilespmem:$0x10920]  }
0xd0: {  	v18 =	vld [tilespmem:$0x3930]  }
0xd1: {  	v19 =	vld [tilespmem:$0xA130]  }
0xd2: {  	v20 =	vld [tilespmem:$0x10930]  }
0xd3: {  	v21 =	vld [tilespmem:$0x3940]  }
0xd4: {  	v22 =	vld [tilespmem:$0xA140]  }
0xd5: {  	v23 =	vld [tilespmem:$0x10940]  }
0xd6: {  	v60 =	vld [tilespmem:$0x3950]  }
0xd7: {  	v25 =	vld [tilespmem:$0xA150]  }
0xd8: {  	v26 =	vld [tilespmem:$0x10950];
	v1 =	vadd.f32 v2, v1  }
0xd9: {  	v2 =	vadd.f32 v8, v4;
	v4 =	vld [tilespmem:$0x3960]  }
0xda: {  	v8 =	vld [tilespmem:$0xA160];
	v27 =	vadd.f32 v3, v1;
	v1 =	vadd.f32 v15, v14  }
0xdb: {  	v2 =	vadd.f32 v12, v2;
	v12 =	vadd.f32 v19, v18;
	v14 =	vld [tilespmem:$0x3970]  }
0xdc: {  	v15 =	vadd.f32 v27, v16;
	v3 =	vadd.f32 v17, v1;
	v16 =	vld [tilespmem:$0xA170]  }
0xdd: {  	v19 =	vadd.f32 v25, v60;
	v1 =	vadd.f32 v20, v12;
	v12 =	vld [tilespmem:$0x10960]  }
0xde: {  	v18 =	vld [tilespmem:$0x10970];
	v17 =	vadd.f32 v3, v6;
	v6 =	vadd.f32 v22, v21  }
0xdf: {  	v5 =	vadd.f32 v2, v5;
	v8 =	vadd.f32 v8, v4  }
0xe0: {  	v4 =	vadd.f32 v26, v19;
	[tilespmem:$0x17080] =	vst v15;
	v6 =	vadd.f32 v23, v6  }
0xe1: {  	v11 =	vadd.f32 v1, v11;
	[tilespmem:$0x17090] =	vst v5;
	v14 =	vadd.f32 v16, v14  }
0xe2: {  	[tilespmem:$0x170A0] =	vst v17;
	v5 =	vadd.f32 v12, v8;
	v10 =	vadd.f32 v6, v10  }
0xe3: {  	[tilespmem:$0x170B0] =	vst v11;
	v8 =	vadd.f32 v4, v9;
	v9 =	vadd.f32 v18, v14  }
0xe4: {  	s29 =	smul.u32 $0x6400, s21;
	[tilespmem:$0x170C0] =	vst v10;
	v10 =	vadd.f32 v5, v13  }
0xe5: {  	[tilespmem:$0x170D0] =	vst v8;
	v7 =	vadd.f32 v9, v7  }
0xe6: {  	s10 =	sshrl.u32 s29, $0x3;
	[tilespmem:$0x170E0] =	vst v10  }
0xe7: {  	s21 =	sadd.s32 s6, s10;
	s10 =	simm.s32 @!p0 $0x5;
	[tilespmem:$0x170F0] =	vst v7  }
0xe8: {  	[hbm4b:s21+s8] =	stream.linear.scatter [tilespmem:s1], [sflag:$0x4], $0x3400, $0x38;
	[tilespmem:$0x1A100] =	vst v63  }
0xe9: {  	_ =	swait.ge @!p0 [sflag:s10], $0x3000  }
0xea: {  	[sflag:s10] =	ssyncset.done @!p0 $0x0  }
0xeb: {  	s22 =	simm.s32 $0x0;
	[sflag:s10] =	ssyncadd.s32 @!p0 $0xFFFFD000  }
0xec: {  	v7 =	vld [tilespmem:s22+$0x39F0]  }
0xed: {  	v8 =	vld [tilespmem:s22+$0xA1F0]  }
0xee: {  	v10 =	vld [tilespmem:s22+$0x3980]  }
0xef: {  	v11 =	vld [tilespmem:s22+$0x109F0]  }
0xf0: {  	v12 =	vld [tilespmem:s22+$0xA180]  }
0xf1: {  	v13 =	vld [tilespmem:s22+$0x3990]  }
0xf2: {  	v14 =	vld [tilespmem:s22+$0xA190]  }
0xf3: {  	v15 =	vld [tilespmem:s22+$0x39A0]  }
0xf4: {  	v16 =	vld [tilespmem:s22+$0xA1A0]  }
0xf5: {  	v17 =	vld [tilespmem:s22+$0x39C0]  }
0xf6: {  	v18 =	vld [tilespmem:s22+$0xA1C0]  }
0xf7: {  	v20 =	vld [tilespmem:s22+$0xA1D0]  }
0xf8: {  	v21 =	vld [tilespmem:s22+$0x39E0];
	v7 =	vadd.f32 v8, v7  }
0xf9: {  	v22 =	vld [tilespmem:s22+$0xA1E0]  }
0xfa: {  	v23 =	vld [tilespmem:s22+$0x10980];
	v8 =	vadd.f32 v11, v7  }
0xfb: {  	v61 =	vld [tilespmem:s22+$0x10990]  }
0xfc: {  	v7 =	vld [tilespmem:s22+$0x39B0];
	v9 =	vadd.f32 v8, v9  }
0xfd: {  	v11 =	vld [tilespmem:s22+$0xA1B0]  }
0xfe: {  	[tilespmem:s22+$0x17170] =	vst v9;
	v9 =	vld [tilespmem:s22+$0x39D0]  }
0xff: {  	v62 =	vld [tilespmem:s22+$0x109A0];
	v10 =	vadd.f32 v12, v10  }
0x100: {  	v19 =	vld [tilespmem:s22+$0x109B0];
	v63 =	vadd.f32 v14, v13;
	v28 =	vadd.f32 v16, v15  }
0x101: {  	v14 =	vadd.f32 v18, v17;
	v18 =	vld [tilespmem:s22+$0x109C0];
	v12 =	vadd.f32 v22, v21  }
0x102: {  	v17 =	vld [tilespmem:s22+$0x109D0];
	v15 =	vadd.f32 v11, v7;
	v7 =	vadd.f32 v23, v10  }
0x103: {  	s23 =	simm.s32 $0x80;
	v16 =	vld [tilespmem:s22+$0x109E0];
	v13 =	vadd.f32 v20, v9;
	v9 =	vadd.f32 v61, v63  }
0x104: {  	s26 =	simm.s32 $0x400;
	v11 =	vld [tilespmem:s23+$0x39F0];
	v10 =	vadd.f32 v62, v28;
	v20 =	vadd.f32 v7, v27  }
.LBB2_5:
0x105: {  	p0 =	sne.s32 s26, $0xBE00;
	v21 =	vld [tilespmem:s23+$0xA1F0];
	v22 =	vadd.f32 v9, v2;
	v15 =	vadd.f32 v19, v15;
	v2 =	vmov v9  }
0x106: {  	v9 =	vld [tilespmem:s23+$0x3980];
	[tilespmem:s22+$0x17100] =	vst v20;
	v19 =	vadd.f32 v10, v3;
	v14 =	vadd.f32 v18, v14;
	v3 =	vmov v10  }
0x107: {  	v10 =	vld [tilespmem:s23+$0x109F0];
	[tilespmem:s22+$0x17110] =	vst v22;
	v18 =	vadd.f32 v15, v1;
	v13 =	vadd.f32 v17, v13;
	v1 =	vmov v15  }
0x108: {  	v15 =	vld [tilespmem:s23+$0xA180];
	[tilespmem:s22+$0x17120] =	vst v19;
	v17 =	vadd.f32 v14, v6;
	v12 =	vadd.f32 v16, v12;
	v6 =	vmov v14  }
0x109: {  	v14 =	vld [tilespmem:s23+$0x3990];
	[tilespmem:s22+$0x17130] =	vst v18;
	v16 =	vadd.f32 v13, v4;
	v4 =	vmov v13  }
0x10a: {  	v13 =	vld [tilespmem:s23+$0xA190];
	v11 =	vadd.f32 v21, v11;
	[tilespmem:s22+$0x17140] =	vst v17;
	v17 =	vadd.f32 v12, v5;
	v5 =	vmov v12  }
0x10b: {  	v12 =	vld [tilespmem:s23+$0x39A0];
	[tilespmem:s22+$0x17150] =	vst v16  }
0x10c: {  	v16 =	vld [tilespmem:s23+$0xA1A0];
	v10 =	vadd.f32 v10, v11;
	[tilespmem:s22+$0x17160] =	vst v17;
	s22 =	smov.u32 s23  }
0x10d: {  	v9 =	vadd.f32 v15, v9;
	v11 =	vld [tilespmem:s22+$0x39B0]  }
0x10e: {  	v15 =	vld [tilespmem:s22+$0xA1B0];
	v17 =	vadd.f32 v10, v8;
	v8 =	vmov v10  }
0x10f: {  	v10 =	vadd.f32 v13, v14;
	v13 =	vld [tilespmem:s22+$0x39C0]  }
0x110: {  	v14 =	vld [tilespmem:s22+$0xA1C0];
	[tilespmem:s22+$0x17170] =	vst v17  }
0x111: {  	v21 =	vadd.f32 v16, v12;
	v12 =	vld [tilespmem:s22+$0x39D0]  }
0x112: {  	v16 =	vld [tilespmem:s22+$0xA1D0]  }
0x113: {  	v15 =	vadd.f32 v15, v11;
	v11 =	vld [tilespmem:s22+$0x39E0]  }
0x114: {  	v17 =	vld [tilespmem:s22+$0xA1E0]  }
0x115: {  	v20 =	vld [tilespmem:s22+$0x10980];
	v14 =	vadd.f32 v14, v13  }
0x116: {  	v22 =	vld [tilespmem:s22+$0x10990]  }
0x117: {  	v23 =	vld [tilespmem:s22+$0x109A0];
	v13 =	vadd.f32 v16, v12  }
.Ltmp3:
0x118: {  	v19 =	vld [tilespmem:s22+$0x109B0];
	(pc) =	sbr.rel @p0 .LBB2_5-.Ltmp3, $4  }
0x119: {  	v18 =	vld [tilespmem:s22+$0x109C0];
	v12 =	vadd.f32 v17, v11  }
0x11a: {  	v24 =	vadd.f32 v20, v9;
	v17 =	vld [tilespmem:s22+$0x109D0]  }
0x11b: {  	s23 =	sshra.s32 s26, $0x2;
	v9 =	vadd.f32 v22, v10;
	v16 =	vld [tilespmem:s22+$0x109E0]  }
0x11c: {  	s26 =	sadd.s32 $0x200, s26;
	v11 =	vld [tilespmem:s23+$0x39F0];
	v20 =	vadd.f32 v24, v7;
	v10 =	vadd.f32 v23, v21;
	v7 =	vmov v24  }
0x11d: {  	v21 =	vld [tilespmem:s23+$0xA1F0];
	v2 =	vadd.f32 v9, v2;
	v15 =	vadd.f32 v19, v15  }
0x11e: {  	v22 =	vld [tilespmem:s23+$0x3980];
	[tilespmem:s22+$0x17100] =	vst v20;
	v3 =	vadd.f32 v10, v3;
	v14 =	vadd.f32 v18, v14  }
0x11f: {  	v20 =	vld [tilespmem:s23+$0x109F0];
	[tilespmem:s22+$0x17110] =	vst v2;
	v1 =	vadd.f32 v15, v1;
	v13 =	vadd.f32 v17, v13  }
0x120: {  	v2 =	vld [tilespmem:s23+$0xA180];
	[tilespmem:s22+$0x17120] =	vst v3;
	v6 =	vadd.f32 v14, v6;
	v12 =	vadd.f32 v16, v12  }
0x121: {  	v3 =	vld [tilespmem:s23+$0x3990];
	[tilespmem:s22+$0x17130] =	vst v1;
	v4 =	vadd.f32 v13, v4  }
0x122: {  	v1 =	vld [tilespmem:s23+$0xA190];
	[tilespmem:s22+$0x17140] =	vst v6;
	v5 =	vadd.f32 v12, v5  }
0x123: {  	v6 =	vld [tilespmem:s23+$0x39A0];
	[tilespmem:s22+$0x17150] =	vst v4  }
0x124: {  	v49 =	vld [tilespmem:s23+$0xA1A0];
	[tilespmem:s22+$0x17160] =	vst v5  }
0x125: {  	v5 =	vld [tilespmem:s23+$0x39B0]  }
0x126: {  	v50 =	vld [tilespmem:s23+$0xA1B0]  }
0x127: {  	v51 =	vld [tilespmem:s23+$0x39C0]  }
0x128: {  	v52 =	vld [tilespmem:s23+$0xA1C0]  }
0x129: {  	v53 =	vld [tilespmem:s23+$0x39D0]  }
0x12a: {  	v54 =	vld [tilespmem:s23+$0xA1D0]  }
0x12b: {  	v48 =	vadd.f32 v21, v11;
	v55 =	vld [tilespmem:s23+$0x39E0]  }
0x12c: {  	v56 =	vld [tilespmem:s23+$0xA1E0]  }
0x12d: {  	v4 =	vadd.f32 v20, v48;
	v57 =	vld [tilespmem:s23+$0x10980]  }
0x12e: {  	v23 =	vld [tilespmem:s23+$0x10990]  }
0x12f: {  	v2 =	vadd.f32 v2, v22;
	v58 =	vld [tilespmem:s23+$0x109A0];
	v4 =	vadd.f32 v4, v8  }
0x130: {  	v59 =	vld [tilespmem:s23+$0x109B0];
	v1 =	vadd.f32 v1, v3;
	v3 =	vadd.f32 v49, v6  }
0x131: {  	v60 =	vld [tilespmem:s23+$0x109C0];
	v5 =	vadd.f32 v50, v5;
	v8 =	vadd.f32 v52, v51  }
0x132: {  	v61 =	vld [tilespmem:s23+$0x109D0];
	[tilespmem:s23+$0x17170] =	vst v4;
	v4 =	vadd.f32 v54, v53;
	v2 =	vadd.f32 v57, v2  }
0x133: {  	v63 =	vld [tilespmem:s23+$0x109E0];
	v62 =	vadd.f32 v56, v55;
	v1 =	vadd.f32 v23, v1  }
0x134: {  	v3 =	vadd.f32 v58, v3;
	v2 =	vadd.f32 v2, v7  }
0x135: {  	v1 =	vadd.f32 v1, v9;
	v5 =	vadd.f32 v59, v5  }
0x136: {  	[tilespmem:s23+$0x17100] =	vst v2;
	v2 =	vadd.f32 v3, v10;
	v3 =	vadd.f32 v60, v8  }
0x137: {  	v4 =	vadd.f32 v61, v4;
	[tilespmem:s23+$0x17110] =	vst v1;
	v1 =	vadd.f32 v5, v15  }
0x138: {  	[tilespmem:s23+$0x17120] =	vst v2;
	v2 =	vadd.f32 v3, v14;
	v3 =	vadd.f32 v63, v62  }
.Ltmp4:
0x139: {  	[tilespmem:s23+$0x17130] =	vst v1;
	v1 =	vadd.f32 v4, v13;
	(pc) =	sbr.rel @p1 .LBB2_8-.Ltmp4, $4  }
0x13a: {  	[tilespmem:s23+$0x17140] =	vst v2;
	v2 =	vadd.f32 v3, v12  }
0x13b: {  	[tilespmem:s23+$0x17150] =	vst v1  }
0x13c: {  	s10 =	sadd.s32 $0x680, s21;
	[tilespmem:s23+$0x17160] =	vst v2  }
0x13d: {  	[hbm4b:s10+s8] =	stream.linear.scatter [tilespmem:s4], [sflag:$0x5], $0x3000, $0x38;
	[tilespmem:$0x1A100] =	vst v63  }
0x13e: {  	s10 =	sxor.u32 $0xFFFFFFFF, s20  }
0x13f: {  	s10 =	sand.u32 $0x1, s10  }
0x140: {  	s10 =	smul.u32 $0x960, s10;
	_ =	sdelay $0x1  }
0x141: {  	s10 =	sshrl.u32 s10, $0x2  }
0x142: {  	s21 =	sadd.s32 $0x68, s10  }
0x143: {  	[tilespmem:s25], [sflag:$0x2] =	stream.indirect.gather [hbm4b:s0+s24], $0x80, s21, s24, $0xb8;
	[tilespmem:$0x1A100] =	vst v63  }
.Ltmp5:
0x144: {  	_ = 	snop;
	(pc) =	sbr.rel .LBB2_2-.Ltmp5, $4  }
0x145: {  	s29 =	sadd.s32 $0x130, s10  }
0x146: {  	[tilespmem:s28], [sflag:$0x2] =	stream.indirect.gather [hbm4b:s2+s24], $0x80, s29, s24, $0xb8;
	[tilespmem:$0x1A100] =	vst v63  }
0x147: {  	s20 =	sadd.s32 $0x1, s20;
	s10 =	sadd.s32 $0x1F8, s10  }
0x148: {  	[tilespmem:s30], [sflag:$0x2] =	stream.indirect.gather [hbm4b:s3+s24], $0x80, s10, s24, $0xb8;
	[tilespmem:$0x1A100] =	vst v63  }
.LBB2_9:
0x149: {  	_ =	sfence.sel $0x180000  }
0x14a: {  	[bflag:$0x0] =	sbarrier.arrive $0xFFFF  }
0x14b: {  	_ =	strace $0x90000047  }
0x14c: {  	s0 =	stileid.u32;
	[bflag:$0x2] =	sbarrier.arrive $0xFFFF  }
0x14d: {  	p0 =	sne.s32 s0, $0x0;
	s0 =	rddreg [dreg:$0x6]  }
0x14e: {  	s0 =	sadd.s32 @!p0 $0x100000, s0  }
0x14f: {  	[sflag:s0] =	ssyncadd.tile.s32 @!p0 $0x1;
	_ =	shalt  }
.Lfunc_end2:
_tile_overlayer_lowered:
.L_overlay_start_2:
0x150: {  	(tag) =	ssettag $0x2  }
0x151: {  	s0 =	rddreg [dreg:$0x0];
	s2 =	stileid.u32  }
0x152: {  	s1 =	rddreg [dreg:$0x1];
	p0 =	sne.s32 s2, $0x0  }
0x153: {  	s3 =	rddreg [dreg:$0x2];
	[bflag:$0x3] =	sbarrier.arrive $0xFFFF;
	s2 =	simm.s32 @!p0 $0x1C06  }
0x154: {  	[timem:s3], [sflag:s2] =	dma.local @!p0 [hbm:s0], s1  }
0x155: {  	s0 =	simm.s32 @!p0 $0x6  }
0x156: {  	_ =	swait.ge @!p0 [sflag:s0], s1  }
0x157: {  	s1 =	ssub.s32 @!p0 $0x0, s1;
	[sflag:s0] =	ssyncset.done @!p0 $0x0  }
0x158: {  	[sflag:s0] =	ssyncadd.s32 @!p0 s1  }
0x159: {  	[bflag:$0x3] =	sbarrier.arrive $0xFFFF  }
0x15a: {  	_ =	shalt  }

</sc_bundles>
